<compile_context>
chip_gen: v7x
topology: tpu7x:2x2x1
jax: 0.10.2.dev20260603
libtpu: 0.0.44.dev20260713+nightly
codegen_flags: <defaults>
</compile_context>

<pallas_src>
import functools

import jax
import jax.numpy as jnp
from jax import lax
from jax.experimental import pallas as pl
from jax.experimental.pallas import tpu as pltpu
from jax.experimental.pallas import tpu_sc as plsc

N = 10000
E = 320000
NFEAT = 128
NLABEL = 16
NHID = 128

NC, NS, LANES = 2, 16, 16
NW = NC * NS
NPAD = 10240
CHUNK = 56
NCHUNK = (E + NW * CHUNK - 1) // (NW * CHUNK)
EPAD = NW * NCHUNK * CHUNK
RPT = NPAD // NS
NIDXL = 1008



def _sc_deg_feats_body(dst_hbm, idxl_hbm, ones_hbm, z_hbm,
                       deg_out, mark_out,
                       dst_v, idxl_v, ones_v, z_v, deg_sp, mark_sp, sem):
    c = lax.axis_index("c")
    s = lax.axis_index("s")
    wid = s * NC + c

    pltpu.sync_copy(z_hbm, z_v)
    pltpu.sync_copy(z_v, deg_sp.at[pl.ds(s * RPT, RPT)])
    pltpu.sync_copy(z_v, mark_sp.at[pl.ds(s * RPT, RPT)])
    plsc.subcore_barrier()

    pltpu.sync_copy(ones_hbm, ones_v)
    pltpu.sync_copy(dst_hbm.at[wid], dst_v)
    pltpu.sync_copy(idxl_hbm, idxl_v)

    def chunk(j, carry):
        pltpu.async_copy(ones_v, deg_sp.at[dst_v.at[j]], sem, add=True)
        return carry

    lax.fori_loop(0, NCHUNK, chunk, 0)

    for j in range(NIDXL // CHUNK):
        pltpu.async_copy(ones_v, mark_sp.at[idxl_v.at[j]], sem, add=True)

    def drain(j, carry):
        pltpu.make_async_copy(ones_v, deg_sp.at[dst_v.at[j]], sem).wait()
        return carry

    lax.fori_loop(0, NCHUNK, drain, 0)
    for j in range(NIDXL // CHUNK):
        pltpu.make_async_copy(ones_v, mark_sp.at[idxl_v.at[j]], sem).wait()

    plsc.subcore_barrier()
    pltpu.sync_copy(deg_sp.at[pl.ds(s * RPT, RPT)],
                    deg_out.at[pl.ds((c * NS + s) * RPT, RPT)])
    pltpu.sync_copy(mark_sp.at[pl.ds(s * RPT, RPT)],
                    mark_out.at[pl.ds((c * NS + s) * RPT, RPT)])


@functools.cache
def _get_sc_deg_feats():
  return pl.kernel(
    _sc_deg_feats_body,
    out_type=(jax.ShapeDtypeStruct((NC * NPAD, LANES), jnp.float32),
              jax.ShapeDtypeStruct((NC * NPAD, LANES), jnp.float32)),
    mesh=plsc.VectorSubcoreMesh(core_axis_name="c", subcore_axis_name="s",
                                num_cores=NC, num_subcores=NS),
    compiler_params=pltpu.CompilerParams(use_tc_tiling_on_sc=False),
    scratch_types=[
        pltpu.VMEM((NCHUNK, CHUNK), jnp.int32),
        pltpu.VMEM((NIDXL // CHUNK, CHUNK), jnp.int32),
        pltpu.VMEM((CHUNK, LANES), jnp.float32),
        pltpu.VMEM((RPT, LANES), jnp.float32),
        pltpu.VMEM_SHARED((NPAD, LANES), jnp.float32),
        pltpu.VMEM_SHARED((NPAD, LANES), jnp.float32),
        pltpu.SemaphoreType.DMA,
    ],
  )


DEPTH = 4


def _sc_spmm_body(hws_hbm, src_hbm, dst_hbm, z_hbm, out_hbm,
                  src_v, dst_v, rows_v, acc_sp, gsem, ssem):
    c = lax.axis_index("c")
    s = lax.axis_index("s")
    wid = s * NC + c

    pltpu.sync_copy(z_hbm, acc_sp.at[pl.ds(s * RPT, RPT)])
    plsc.subcore_barrier()

    pltpu.sync_copy(src_hbm.at[wid], src_v)
    pltpu.sync_copy(dst_hbm.at[wid], dst_v)

    for p in range(DEPTH - 1):
        pltpu.async_copy(hws_hbm.at[src_v.at[p]], rows_v.at[p], gsem)

    def chunk(j, carry):
        @pl.when(j >= 1)
        def _():
            pltpu.make_async_copy(rows_v.at[(j - 1) % DEPTH],
                                  acc_sp.at[dst_v.at[j - 1]], ssem).wait()

        nxt = j + DEPTH - 1

        @pl.when(nxt < NCHUNK)
        def _():
            pltpu.async_copy(hws_hbm.at[src_v.at[nxt]],
                             rows_v.at[nxt % DEPTH], gsem)

        pltpu.make_async_copy(hws_hbm.at[src_v.at[j]], rows_v.at[j % DEPTH],
                              gsem).wait()
        pltpu.async_copy(rows_v.at[j % DEPTH], acc_sp.at[dst_v.at[j]], ssem,
                         add=True)
        return carry

    lax.fori_loop(0, NCHUNK, chunk, 0)
    pltpu.make_async_copy(rows_v.at[(NCHUNK - 1) % DEPTH],
                          acc_sp.at[dst_v.at[NCHUNK - 1]], ssem).wait()

    plsc.subcore_barrier()
    pltpu.sync_copy(acc_sp.at[pl.ds(s * RPT, RPT)],
                    out_hbm.at[pl.ds((c * NS + s) * RPT, RPT)])


@functools.cache
def _get_sc_spmm():
  return pl.kernel(
    _sc_spmm_body,
    out_type=jax.ShapeDtypeStruct((NC * NPAD, NHID), jnp.float32),
    mesh=plsc.VectorSubcoreMesh(core_axis_name="c", subcore_axis_name="s",
                                num_cores=NC, num_subcores=NS),
    compiler_params=pltpu.CompilerParams(use_tc_tiling_on_sc=False),
    scratch_types=[
        pltpu.VMEM((NCHUNK, CHUNK), jnp.int32),
        pltpu.VMEM((NCHUNK, CHUNK), jnp.int32),
        pltpu.VMEM((DEPTH, CHUNK, NHID), jnp.float32),
        pltpu.VMEM_SHARED((NPAD, NHID), jnp.float32),
        pltpu.SemaphoreType.DMA,
        pltpu.SemaphoreType.DMA,
    ],
  )


BM = 512
GRID = NPAD // BM


def _tc1_body(x_ref, y_ref, mark_ref, dega_ref, degb_ref, w1a_ref, w1b_ref,
              hws_ref, sl_ref, dinv_ref, dself_ref):
    deg = dega_ref[...] + degb_ref[...] + 2.0
    dinv = lax.rsqrt(deg)
    dself = 2.0 / deg
    oh = (y_ref[...] == lax.broadcasted_iota(
        jnp.int32, (BM, NLABEL), 1)).astype(jnp.float32)
    oh = oh * jnp.minimum(mark_ref[...], 1.0)
    hw = (jnp.dot(x_ref[...], w1a_ref[...],
                  preferred_element_type=jnp.float32)
          + jnp.dot(oh, w1b_ref[...], preferred_element_type=jnp.float32))
    hws_ref[...] = dinv * hw
    sl_ref[...] = dself * hw
    dinv_ref[...] = dinv
    dself_ref[...] = dself


_tc1 = pl.pallas_call(
    _tc1_body,
    grid=(GRID,),
    in_specs=[
        pl.BlockSpec((BM, NFEAT), lambda i: (i, 0)),
        pl.BlockSpec((BM, 1), lambda i: (i, 0)),
        pl.BlockSpec((BM, 1), lambda i: (i, 0)),
        pl.BlockSpec((BM, 1), lambda i: (i, 0)),
        pl.BlockSpec((BM, 1), lambda i: (i, 0)),
        pl.BlockSpec((NFEAT, NHID), lambda i: (0, 0)),
        pl.BlockSpec((NLABEL, NHID), lambda i: (0, 0)),
    ],
    out_specs=[
        pl.BlockSpec((BM, NHID), lambda i: (i, 0)),
        pl.BlockSpec((BM, NHID), lambda i: (i, 0)),
        pl.BlockSpec((BM, 1), lambda i: (i, 0)),
        pl.BlockSpec((BM, 1), lambda i: (i, 0)),
    ],
    out_shape=[
        jax.ShapeDtypeStruct((NPAD, NHID), jnp.float32),
        jax.ShapeDtypeStruct((NPAD, NHID), jnp.float32),
        jax.ShapeDtypeStruct((NPAD, 1), jnp.float32),
        jax.ShapeDtypeStruct((NPAD, 1), jnp.float32),
    ],
)


def _tc2_body(acca_ref, accb_ref, sl_ref, dinv_ref, dself_ref, b_ref, w_ref,
              hws_ref, slo_ref):
    dinv = dinv_ref[...]
    h = dinv * (acca_ref[...] + accb_ref[...]) + sl_ref[...] + b_ref[...]
    h = jnp.maximum(h, 0.0)
    hw = jnp.dot(h, w_ref[...], preferred_element_type=jnp.float32)
    hws_ref[...] = dinv * hw
    slo_ref[...] = dself_ref[...] * hw


_tc2 = pl.pallas_call(
    _tc2_body,
    grid=(GRID,),
    in_specs=[
        pl.BlockSpec((BM, NHID), lambda i: (i, 0)),
        pl.BlockSpec((BM, NHID), lambda i: (i, 0)),
        pl.BlockSpec((BM, NHID), lambda i: (i, 0)),
        pl.BlockSpec((BM, 1), lambda i: (i, 0)),
        pl.BlockSpec((BM, 1), lambda i: (i, 0)),
        pl.BlockSpec((1, NHID), lambda i: (0, 0)),
        pl.BlockSpec((NHID, NHID), lambda i: (0, 0)),
    ],
    out_specs=[
        pl.BlockSpec((BM, NHID), lambda i: (i, 0)),
        pl.BlockSpec((BM, NHID), lambda i: (i, 0)),
    ],
    out_shape=[
        jax.ShapeDtypeStruct((NPAD, NHID), jnp.float32),
        jax.ShapeDtypeStruct((NPAD, NHID), jnp.float32),
    ],
)


def _tc3_body(acca_ref, accb_ref, sl_ref, dinv_ref, b2_ref,
              wf1_ref, bf1_ref, wf2_ref, bf2_ref, out_ref):
    h = dinv_ref[...] * (acca_ref[...] + accb_ref[...]) \
        + sl_ref[...] + b2_ref[...]
    h = jnp.maximum(h, 0.0)
    m = jnp.dot(h, wf1_ref[...], preferred_element_type=jnp.float32) \
        + bf1_ref[...]
    m = jnp.where(m > 0.0, m, jnp.exp(jnp.minimum(m, 0.0)) - 1.0)
    logits = jnp.dot(m, wf2_ref[...], preferred_element_type=jnp.float32) \
        + bf2_ref[...]
    mx = jnp.max(logits, axis=1, keepdims=True)
    sh = logits - mx
    lse = jnp.log(jnp.sum(jnp.exp(sh), axis=1, keepdims=True))
    out_ref[...] = sh - lse


_tc3 = pl.pallas_call(
    _tc3_body,
    grid=(GRID,),
    in_specs=[
        pl.BlockSpec((BM, NHID), lambda i: (i, 0)),
        pl.BlockSpec((BM, NHID), lambda i: (i, 0)),
        pl.BlockSpec((BM, NHID), lambda i: (i, 0)),
        pl.BlockSpec((BM, 1), lambda i: (i, 0)),
        pl.BlockSpec((1, NHID), lambda i: (0, 0)),
        pl.BlockSpec((NHID, 2 * NHID), lambda i: (0, 0)),
        pl.BlockSpec((1, 2 * NHID), lambda i: (0, 0)),
        pl.BlockSpec((2 * NHID, NLABEL), lambda i: (0, 0)),
        pl.BlockSpec((1, NLABEL), lambda i: (0, 0)),
    ],
    out_specs=pl.BlockSpec((BM, NLABEL), lambda i: (i, 0)),
    out_shape=jax.ShapeDtypeStruct((NPAD, NLABEL), jnp.float32),
)


def kernel(x, y, predictions, adj, idx_labeled, n_sample,
           W1, b1, W2, b2, Wf1, bf1, Wf2, bf2):
    src = adj[0]
    dst = adj[1]
    pad_i = jnp.arange(EPAD - E, dtype=jnp.int32)
    src_p = jnp.concatenate(
        [src, pad_i % N]).reshape(NW, NCHUNK, CHUNK)
    dst_p = jnp.concatenate(
        [dst, N + pad_i % (NPAD - N)]).reshape(NW, NCHUNK, CHUNK)
    idxl_p = jnp.concatenate(
        [idx_labeled, jnp.full((NIDXL - idx_labeled.shape[0],), NPAD - 1,
                               jnp.int32)]).reshape(NIDXL // CHUNK, CHUNK)
    y_p = jnp.concatenate([y, jnp.zeros((NPAD - N,), jnp.int32)])
    x_p = jnp.pad(x, ((0, NPAD - N), (0, 0)))
    ones_le = jnp.ones((CHUNK, LANES), jnp.float32)
    z_le = jnp.zeros((RPT, LANES), jnp.float32)
    z_row = jnp.zeros((RPT, NHID), jnp.float32)

    deg_part, mark = _get_sc_deg_feats()(dst_p, idxl_p, ones_le, z_le)
    dega = deg_part[:NPAD, 0:1]
    degb = deg_part[NPAD:, 0:1]
    mark_col = mark[:NPAD, 0:1] + mark[NPAD:, 0:1]

    hws1, sl1, dinv, dself = _tc1(
        x_p, y_p.reshape(NPAD, 1), mark_col, dega, degb,
        W1[:NFEAT], W1[NFEAT:])

    acc1 = _get_sc_spmm()(hws1, src_p, dst_p, z_row)

    hws2, sl2 = _tc2(acc1[:NPAD], acc1[NPAD:], sl1, dinv, dself,
                     b1.reshape(1, NHID), W2)

    acc2 = _get_sc_spmm()(hws2, src_p, dst_p, z_row)

    out = _tc3(acc2[:NPAD], acc2[NPAD:], sl2, dinv, b2.reshape(1, NHID),
               Wf1, bf1.reshape(1, 2 * NHID), Wf2, bf2.reshape(1, NLABEL))
    return out[:N]

# --- scband reference (transcript-rebuilt; emitter-appended) ---
"""Pipeline reference for scband-clgnn-model-36773509988809 (READ-ONLY COPY).

The authoritative reference and input builder live on the scoring server;
editing this copy changes nothing except your own understanding.
"""

import jax, jax.numpy as jnp
import numpy as np

N = 10000
E = 320000
NFEAT = 128
NLABEL = 16
NHID = 128


def setup_inputs(seed: int = 0) -> dict:
    key = jax.random.key(seed)
    ks = jax.random.split(key, 12)
    s = 0.02
    x = jax.random.normal(ks[0], (N, NFEAT), dtype=jnp.float32)
    y = jax.random.randint(ks[1], (N,), 0, NLABEL, dtype=jnp.int32)
    predictions = jax.random.uniform(ks[2], (N, NLABEL), dtype=jnp.float32)
    adj = jax.random.randint(ks[3], (2, E), 0, N, dtype=jnp.int32)
    idx_labeled = jax.random.randint(ks[4], (1000,), 0, N, dtype=jnp.int32)
    W1 = jax.random.normal(ks[5], (NFEAT + NLABEL, NHID), dtype=jnp.float32) * s
    b1 = jnp.zeros((NHID,), dtype=jnp.float32)
    W2 = jax.random.normal(ks[6], (NHID, NHID), dtype=jnp.float32) * s
    b2 = jnp.zeros((NHID,), dtype=jnp.float32)
    Wf1 = jax.random.normal(ks[7], (NHID, 2 * NHID), dtype=jnp.float32) * s
    bf1 = jnp.zeros((2 * NHID,), dtype=jnp.float32)
    Wf2 = jax.random.normal(ks[8], (2 * NHID, NLABEL), dtype=jnp.float32) * s
    bf2 = jnp.zeros((NLABEL,), dtype=jnp.float32)
    return {"x": x, "y": y, "predictions": predictions, "adj": adj,
            "idx_labeled": idx_labeled, "n_sample": 1,
            "W1": W1, "b1": b1, "W2": W2, "b2": b2,
            "Wf1": Wf1, "bf1": bf1, "Wf2": Wf2, "bf2": bf2}


def gcn_conv(h, edge_index, W, b):
    # PyG GCNConv with improved=True: self-loop fill value 2.0, symmetric norm
    n = h.shape[0]
    src = edge_index[0]
    dst = edge_index[1]
    loop = jnp.arange(n, dtype=src.dtype)
    src2 = jnp.concatenate([src, loop])
    dst2 = jnp.concatenate([dst, loop])
    ew = jnp.concatenate([jnp.ones((src.shape[0],), dtype=h.dtype),
                          2.0 * jnp.ones((n,), dtype=h.dtype)])
    deg = jax.ops.segment_sum(ew, dst2, num_segments=n)
    dinv = jnp.where(deg > 0, 1.0 / jnp.sqrt(deg), 0.0)
    norm = dinv[src2] * ew * dinv[dst2]
    hw = h @ W
    msg = hw[src2] * norm[:, None]
    out = jax.ops.segment_sum(msg, dst2, num_segments=n)
    return out + b


def reference(x, y, predictions, adj, idx_labeled, n_sample,
              W1, b1, W2, b2, Wf1, bf1, Wf2, bf2):
    # pre_train=True branch of CLGNN_Model.forward (dropout = identity / eval mode)
    feats_idx = jnp.full((N,), NLABEL + 2, dtype=jnp.int32)
    feats_idx = feats_idx.at[idx_labeled].set(y[idx_labeled].astype(jnp.int32))
    feats = jax.nn.one_hot(feats_idx, NLABEL + 3, dtype=jnp.float32)[:, :NLABEL]
    h = jnp.concatenate([x, feats], axis=1)
    h = jax.nn.relu(gcn_conv(h, adj, W1, b1))
    h = jax.nn.relu(gcn_conv(h, adj, W2, b2))
    # final MLP: num_linears=2, hidden=2*nhid, activate_func=elu, no bn
    h = jax.nn.elu(h @ Wf1 + bf1)
    h = h @ Wf2 + bf2
    return jax.nn.log_softmax(h, axis=1)

if __name__ == "__main__":
    import jax
    _d = setup_inputs()
    print(jax.jit(kernel)(*tuple(_d.values())))

</pallas_src>

<mosaic_0001>
#map = affine_map<(d0, d1) -> (0, 0, 0)>
#map1 = affine_map<(d0, d1) -> (0, 0)>
module attributes {stable_mosaic.version = 14 : i64} {
  func.func @_sc_deg_feats_body(%arg0: i32, %arg1: i32, %arg2: memref<32x179x56xi32, #tpu.memory_space<hbm>>, %arg3: memref<18x56xi32, #tpu.memory_space<hbm>>, %arg4: memref<56x16xf32, #tpu.memory_space<hbm>>, %arg5: memref<640x16xf32, #tpu.memory_space<hbm>>, %arg6: memref<20480x16xf32, #tpu.memory_space<hbm>>, %arg7: memref<20480x16xf32, #tpu.memory_space<hbm>>, %arg8: memref<179x56xi32, #tpu.memory_space<vmem>>, %arg9: memref<18x56xi32, #tpu.memory_space<vmem>>, %arg10: memref<56x16xf32, #tpu.memory_space<vmem>>, %arg11: memref<640x16xf32, #tpu.memory_space<vmem>>, %arg12: memref<10240x16xf32, #tpu.memory_space<vmem_shared>>, %arg13: memref<10240x16xf32, #tpu.memory_space<vmem_shared>>, %arg14: memref<!tpu.dma_semaphore, #tpu.memory_space<semaphore_mem>>) attributes {dimension_semantics = [#tpu.dimension_semantics<core_parallel>, #tpu.dimension_semantics<subcore_parallel>], iteration_bounds = array<i64: 2, 16>, scalar_prefetch = 0 : i64, scratch_operands = 7 : i64, tpu.core_type = #tpu.core_type<sc_vector_subcore>, window_params = [{transform_indices = #map}, {transform_indices = #map1}, {transform_indices = #map1}, {transform_indices = #map1}, {transform_indices = #map1}, {transform_indices = #map1}]} {
    %mul3A = arith.constant 2 : i32
    %mul3A_0 = arith.muli %arg1, %mul3A : i32
    %add3A = arith.addi %mul3A_0, %arg0 : i32
    "tpu.region"() ({
      %run_scoped3A = tpu.sem_alloc : memref<!tpu.dma_semaphore, #tpu.memory_space<semaphore_mem>>
      tpu.enqueue_dma source(%arg5 : memref<640x16xf32, #tpu.memory_space<hbm>>) target(%arg11 : memref<640x16xf32, #tpu.memory_space<vmem>>) target_semaphore(%run_scoped3A : memref<!tpu.dma_semaphore, #tpu.memory_space<semaphore_mem>>)
      tpu.wait_dma2 semaphore(%run_scoped3A : memref<!tpu.dma_semaphore, #tpu.memory_space<semaphore_mem>>) src(%arg5 : memref<640x16xf32, #tpu.memory_space<hbm>>) dst(%arg11 : memref<640x16xf32, #tpu.memory_space<vmem>>)
      tpu.yield
    }) : () -> ()
    %mul3A_1 = arith.constant 640 : i32
    %mul3A_2 = arith.muli %arg1, %mul3A_1 : i32
    "tpu.region"() ({
      %run_scoped3A = tpu.sem_alloc : memref<!tpu.dma_semaphore, #tpu.memory_space<semaphore_mem>>
      %dma_start3A_281 = arith.constant 0 : i32
      %dma_start3A_282 = tpu.memref_slice %arg12[%mul3A_2, %dma_start3A_281] : memref<10240x16xf32, #tpu.memory_space<vmem_shared>> -> memref<640x16xf32, #tpu.memory_space<vmem_shared>>
      %dma_start3A_283 = arith.constant 0 : i32
      %dma_start3A_284 = tpu.memref_slice %arg12[%mul3A_2, %dma_start3A_283] : memref<10240x16xf32, #tpu.memory_space<vmem_shared>> -> memref<640x16xf32, #tpu.memory_space<vmem_shared>>
      tpu.enqueue_dma source(%arg11 : memref<640x16xf32, #tpu.memory_space<vmem>>) target(%dma_start3A_284 : memref<640x16xf32, #tpu.memory_space<vmem_shared>>) target_semaphore(%run_scoped3A : memref<!tpu.dma_semaphore, #tpu.memory_space<semaphore_mem>>)
      %dma_wait3A_285 = arith.constant 0 : i32
      %dma_wait3A_286 = tpu.memref_slice %arg12[%mul3A_2, %dma_wait3A_285] : memref<10240x16xf32, #tpu.memory_space<vmem_shared>> -> memref<640x16xf32, #tpu.memory_space<vmem_shared>>
      %dma_wait3A_287 = arith.constant 0 : i32
      %dma_wait3A_288 = tpu.memref_slice %arg12[%mul3A_2, %dma_wait3A_287] : memref<10240x16xf32, #tpu.memory_space<vmem_shared>> -> memref<640x16xf32, #tpu.memory_space<vmem_shared>>
      tpu.wait_dma2 semaphore(%run_scoped3A : memref<!tpu.dma_semaphore, #tpu.memory_space<semaphore_mem>>) src(%arg11 : memref<640x16xf32, #tpu.memory_space<vmem>>) dst(%dma_wait3A_288 : memref<640x16xf32, #tpu.memory_space<vmem_shared>>)
      tpu.yield
    }) : () -> ()
    %mul3A_3 = arith.constant 640 : i32
    %mul3A_4 = arith.muli %arg1, %mul3A_3 : i32
    "tpu.region"() ({
      %run_scoped3A = tpu.sem_alloc : memref<!tpu.dma_semaphore, #tpu.memory_space<semaphore_mem>>
      %dma_start3A_281 = arith.constant 0 : i32
      %dma_start3A_282 = tpu.memref_slice %arg13[%mul3A_4, %dma_start3A_281] : memref<10240x16xf32, #tpu.memory_space<vmem_shared>> -> memref<640x16xf32, #tpu.memory_space<vmem_shared>>
      %dma_start3A_283 = arith.constant 0 : i32
      %dma_start3A_284 = tpu.memref_slice %arg13[%mul3A_4, %dma_start3A_283] : memref<10240x16xf32, #tpu.memory_space<vmem_shared>> -> memref<640x16xf32, #tpu.memory_space<vmem_shared>>
      tpu.enqueue_dma source(%arg11 : memref<640x16xf32, #tpu.memory_space<vmem>>) target(%dma_start3A_284 : memref<640x16xf32, #tpu.memory_space<vmem_shared>>) target_semaphore(%run_scoped3A : memref<!tpu.dma_semaphore, #tpu.memory_space<semaphore_mem>>)
      %dma_wait3A_285 = arith.constant 0 : i32
      %dma_wait3A_286 = tpu.memref_slice %arg13[%mul3A_4, %dma_wait3A_285] : memref<10240x16xf32, #tpu.memory_space<vmem_shared>> -> memref<640x16xf32, #tpu.memory_space<vmem_shared>>
      %dma_wait3A_287 = arith.constant 0 : i32
      %dma_wait3A_288 = tpu.memref_slice %arg13[%mul3A_4, %dma_wait3A_287] : memref<10240x16xf32, #tpu.memory_space<vmem_shared>> -> memref<640x16xf32, #tpu.memory_space<vmem_shared>>
      tpu.wait_dma2 semaphore(%run_scoped3A : memref<!tpu.dma_semaphore, #tpu.memory_space<semaphore_mem>>) src(%arg11 : memref<640x16xf32, #tpu.memory_space<vmem>>) dst(%dma_wait3A_288 : memref<640x16xf32, #tpu.memory_space<vmem_shared>>)
      tpu.yield
    }) : () -> ()
    %barrier3A = arith.constant 0 : index
    tpu.barrier barrier_id(%barrier3A)
    "tpu.region"() ({
      %run_scoped3A = tpu.sem_alloc : memref<!tpu.dma_semaphore, #tpu.memory_space<semaphore_mem>>
      tpu.enqueue_dma source(%arg4 : memref<56x16xf32, #tpu.memory_space<hbm>>) target(%arg10 : memref<56x16xf32, #tpu.memory_space<vmem>>) target_semaphore(%run_scoped3A : memref<!tpu.dma_semaphore, #tpu.memory_space<semaphore_mem>>)
      tpu.wait_dma2 semaphore(%run_scoped3A : memref<!tpu.dma_semaphore, #tpu.memory_space<semaphore_mem>>) src(%arg4 : memref<56x16xf32, #tpu.memory_space<hbm>>) dst(%arg10 : memref<56x16xf32, #tpu.memory_space<vmem>>)
      tpu.yield
    }) : () -> ()
    "tpu.region"() ({
      %run_scoped3A = tpu.sem_alloc : memref<!tpu.dma_semaphore, #tpu.memory_space<semaphore_mem>>
      %dma_start3A_281 = arith.constant 0 : i32
      %dma_start3A_282 = arith.constant 0 : i32
      %dma_start3A_283 = tpu.memref_slice %arg2[%add3A, %dma_start3A_281, %dma_start3A_282] : memref<32x179x56xi32, #tpu.memory_space<hbm>> -> memref<1x179x56xi32, #tpu.memory_space<hbm>>
      %dma_start3A_284 = tpu.memref_squeeze %dma_start3A_283 : memref<1x179x56xi32, #tpu.memory_space<hbm>> -> memref<179x56xi32, #tpu.memory_space<hbm>>
      %dma_start3A_285 = arith.constant 0 : i32
      %dma_start3A_286 = arith.constant 0 : i32
      %dma_start3A_287 = tpu.memref_slice %arg2[%add3A, %dma_start3A_285, %dma_start3A_286] : memref<32x179x56xi32, #tpu.memory_space<hbm>> -> memref<1x179x56xi32, #tpu.memory_space<hbm>>
      %dma_start3A_288 = tpu.memref_squeeze %dma_start3A_287 : memref<1x179x56xi32, #tpu.memory_space<hbm>> -> memref<179x56xi32, #tpu.memory_space<hbm>>
      tpu.enqueue_dma source(%dma_start3A_288 : memref<179x56xi32, #tpu.memory_space<hbm>>) target(%arg8 : memref<179x56xi32, #tpu.memory_space<vmem>>) target_semaphore(%run_scoped3A : memref<!tpu.dma_semaphore, #tpu.memory_space<semaphore_mem>>)
      %dma_wait3A_289 = arith.constant 0 : i32
      %dma_wait3A_290 = arith.constant 0 : i32
      %dma_wait3A_291 = tpu.memref_slice %arg2[%add3A, %dma_wait3A_289, %dma_wait3A_290] : memref<32x179x56xi32, #tpu.memory_space<hbm>> -> memref<1x179x56xi32, #tpu.memory_space<hbm>>
      %dma_wait3A_292 = tpu.memref_squeeze %dma_wait3A_291 : memref<1x179x56xi32, #tpu.memory_space<hbm>> -> memref<179x56xi32, #tpu.memory_space<hbm>>
      %dma_wait3A_293 = arith.constant 0 : i32
      %dma_wait3A_294 = arith.constant 0 : i32
      %dma_wait3A_295 = tpu.memref_slice %arg2[%add3A, %dma_wait3A_293, %dma_wait3A_294] : memref<32x179x56xi32, #tpu.memory_space<hbm>> -> memref<1x179x56xi32, #tpu.memory_space<hbm>>
      %dma_wait3A_296 = tpu.memref_squeeze %dma_wait3A_295 : memref<1x179x56xi32, #tpu.memory_space<hbm>> -> memref<179x56xi32, #tpu.memory_space<hbm>>
      tpu.wait_dma2 semaphore(%run_scoped3A : memref<!tpu.dma_semaphore, #tpu.memory_space<semaphore_mem>>) src(%dma_wait3A_296 : memref<179x56xi32, #tpu.memory_space<hbm>>) dst(%arg8 : memref<179x56xi32, #tpu.memory_space<vmem>>)
      tpu.yield
    }) : () -> ()
    "tpu.region"() ({
      %run_scoped3A = tpu.sem_alloc : memref<!tpu.dma_semaphore, #tpu.memory_space<semaphore_mem>>
      tpu.enqueue_dma source(%arg3 : memref<18x56xi32, #tpu.memory_space<hbm>>) target(%arg9 : memref<18x56xi32, #tpu.memory_space<vmem>>) target_semaphore(%run_scoped3A : memref<!tpu.dma_semaphore, #tpu.memory_space<semaphore_mem>>)
      tpu.wait_dma2 semaphore(%run_scoped3A : memref<!tpu.dma_semaphore, #tpu.memory_space<semaphore_mem>>) src(%arg3 : memref<18x56xi32, #tpu.memory_space<hbm>>) dst(%arg9 : memref<18x56xi32, #tpu.memory_space<vmem>>)
      tpu.yield
    }) : () -> ()
    %scan3A = arith.constant 0 : i32
    %scan3A_5 = arith.constant 0 : i32
    %scan3A_6 = arith.constant 179 : i32
    %scan3A_7 = arith.addi %scan3A_5, %scan3A_6 : i32
    %scan3A_8 = arith.constant 1 : i32
    scf.for %scan3A_281 = %scan3A_5 to %scan3A_7 step %scan3A_8  : i32 {
      %dma_start3A_282 = arith.constant 0 : i32
      %dma_start3A_283 = tpu.memref_slice %arg8[%scan3A_281, %dma_start3A_282] : memref<179x56xi32, #tpu.memory_space<vmem>> -> memref<1x56xi32, #tpu.memory_space<vmem>>
      %dma_start3A_284 = tpu.memref_squeeze %dma_start3A_283 : memref<1x56xi32, #tpu.memory_space<vmem>> -> memref<56xi32, #tpu.memory_space<vmem>>
      %dma_start3A_285 = arith.constant 0 : i32
      %dma_start3A_286 = arith.constant 0 : i32
      %dma_start3A_287 = tpu.memref_slice %arg12[%dma_start3A_285, %dma_start3A_286] : memref<10240x16xf32, #tpu.memory_space<vmem_shared>> -> memref<10240x16xf32, #tpu.memory_space<vmem_shared>>
      tpu.enqueue_indirect_dma source(%arg10 : memref<56x16xf32, #tpu.memory_space<vmem>>) target(%dma_start3A_287 : memref<10240x16xf32, #tpu.memory_space<vmem_shared>>) offsets(%dma_start3A_284 : memref<56xi32, #tpu.memory_space<vmem>>) semaphore(%arg14 : memref<!tpu.dma_semaphore, #tpu.memory_space<semaphore_mem>>) {add = true}
    }
    %scan3A_9 = arith.constant 179 : i32
    %dma_start3A = arith.constant 0 : i32
    %dma_start3A_10 = arith.constant 0 : i32
    %dma_start3A_11 = tpu.memref_slice %arg9[%dma_start3A, %dma_start3A_10] : memref<18x56xi32, #tpu.memory_space<vmem>> -> memref<1x56xi32, #tpu.memory_space<vmem>>
    %dma_start3A_12 = tpu.memref_squeeze %dma_start3A_11 : memref<1x56xi32, #tpu.memory_space<vmem>> -> memref<56xi32, #tpu.memory_space<vmem>>
    %dma_start3A_13 = arith.constant 0 : i32
    %dma_start3A_14 = arith.constant 0 : i32
    %dma_start3A_15 = tpu.memref_slice %arg13[%dma_start3A_13, %dma_start3A_14] : memref<10240x16xf32, #tpu.memory_space<vmem_shared>> -> memref<10240x16xf32, #tpu.memory_space<vmem_shared>>
    tpu.enqueue_indirect_dma source(%arg10 : memref<56x16xf32, #tpu.memory_space<vmem>>) target(%dma_start3A_15 : memref<10240x16xf32, #tpu.memory_space<vmem_shared>>) offsets(%dma_start3A_12 : memref<56xi32, #tpu.memory_space<vmem>>) semaphore(%arg14 : memref<!tpu.dma_semaphore, #tpu.memory_space<semaphore_mem>>) {add = true}
    %dma_start3A_16 = arith.constant 1 : i32
    %dma_start3A_17 = arith.constant 0 : i32
    %dma_start3A_18 = tpu.memref_slice %arg9[%dma_start3A_16, %dma_start3A_17] : memref<18x56xi32, #tpu.memory_space<vmem>> -> memref<1x56xi32, #tpu.memory_space<vmem>>
    %dma_start3A_19 = tpu.memref_squeeze %dma_start3A_18 : memref<1x56xi32, #tpu.memory_space<vmem>> -> memref<56xi32, #tpu.memory_space<vmem>>
    %dma_start3A_20 = arith.constant 0 : i32
    %dma_start3A_21 = arith.constant 0 : i32
    %dma_start3A_22 = tpu.memref_slice %arg13[%dma_start3A_20, %dma_start3A_21] : memref<10240x16xf32, #tpu.memory_space<vmem_shared>> -> memref<10240x16xf32, #tpu.memory_space<vmem_shared>>
    tpu.enqueue_indirect_dma source(%arg10 : memref<56x16xf32, #tpu.memory_space<vmem>>) target(%dma_start3A_22 : memref<10240x16xf32, #tpu.memory_space<vmem_shared>>) offsets(%dma_start3A_19 : memref<56xi32, #tpu.memory_space<vmem>>) semaphore(%arg14 : memref<!tpu.dma_semaphore, #tpu.memory_space<semaphore_mem>>) {add = true}
    %dma_start3A_23 = arith.constant 2 : i32
    %dma_start3A_24 = arith.constant 0 : i32
    %dma_start3A_25 = tpu.memref_slice %arg9[%dma_start3A_23, %dma_start3A_24] : memref<18x56xi32, #tpu.memory_space<vmem>> -> memref<1x56xi32, #tpu.memory_space<vmem>>
    %dma_start3A_26 = tpu.memref_squeeze %dma_start3A_25 : memref<1x56xi32, #tpu.memory_space<vmem>> -> memref<56xi32, #tpu.memory_space<vmem>>
    %dma_start3A_27 = arith.constant 0 : i32
    %dma_start3A_28 = arith.constant 0 : i32
    %dma_start3A_29 = tpu.memref_slice %arg13[%dma_start3A_27, %dma_start3A_28] : memref<10240x16xf32, #tpu.memory_space<vmem_shared>> -> memref<10240x16xf32, #tpu.memory_space<vmem_shared>>
    tpu.enqueue_indirect_dma source(%arg10 : memref<56x16xf32, #tpu.memory_space<vmem>>) target(%dma_start3A_29 : memref<10240x16xf32, #tpu.memory_space<vmem_shared>>) offsets(%dma_start3A_26 : memref<56xi32, #tpu.memory_space<vmem>>) semaphore(%arg14 : memref<!tpu.dma_semaphore, #tpu.memory_space<semaphore_mem>>) {add = true}
    %dma_start3A_30 = arith.constant 3 : i32
    %dma_start3A_31 = arith.constant 0 : i32
    %dma_start3A_32 = tpu.memref_slice %arg9[%dma_start3A_30, %dma_start3A_31] : memref<18x56xi32, #tpu.memory_space<vmem>> -> memref<1x56xi32, #tpu.memory_space<vmem>>
    %dma_start3A_33 = tpu.memref_squeeze %dma_start3A_32 : memref<1x56xi32, #tpu.memory_space<vmem>> -> memref<56xi32, #tpu.memory_space<vmem>>
    %dma_start3A_34 = arith.constant 0 : i32
    %dma_start3A_35 = arith.constant 0 : i32
    %dma_start3A_36 = tpu.memref_slice %arg13[%dma_start3A_34, %dma_start3A_35] : memref<10240x16xf32, #tpu.memory_space<vmem_shared>> -> memref<10240x16xf32, #tpu.memory_space<vmem_shared>>
    tpu.enqueue_indirect_dma source(%arg10 : memref<56x16xf32, #tpu.memory_space<vmem>>) target(%dma_start3A_36 : memref<10240x16xf32, #tpu.memory_space<vmem_shared>>) offsets(%dma_start3A_33 : memref<56xi32, #tpu.memory_space<vmem>>) semaphore(%arg14 : memref<!tpu.dma_semaphore, #tpu.memory_space<semaphore_mem>>) {add = true}
    %dma_start3A_37 = arith.constant 4 : i32
    %dma_start3A_38 = arith.constant 0 : i32
    %dma_start3A_39 = tpu.memref_slice %arg9[%dma_start3A_37, %dma_start3A_38] : memref<18x56xi32, #tpu.memory_space<vmem>> -> memref<1x56xi32, #tpu.memory_space<vmem>>
    %dma_start3A_40 = tpu.memref_squeeze %dma_start3A_39 : memref<1x56xi32, #tpu.memory_space<vmem>> -> memref<56xi32, #tpu.memory_space<vmem>>
    %dma_start3A_41 = arith.constant 0 : i32
    %dma_start3A_42 = arith.constant 0 : i32
    %dma_start3A_43 = tpu.memref_slice %arg13[%dma_start3A_41, %dma_start3A_42] : memref<10240x16xf32, #tpu.memory_space<vmem_shared>> -> memref<10240x16xf32, #tpu.memory_space<vmem_shared>>
    tpu.enqueue_indirect_dma source(%arg10 : memref<56x16xf32, #tpu.memory_space<vmem>>) target(%dma_start3A_43 : memref<10240x16xf32, #tpu.memory_space<vmem_shared>>) offsets(%dma_start3A_40 : memref<56xi32, #tpu.memory_space<vmem>>) semaphore(%arg14 : memref<!tpu.dma_semaphore, #tpu.memory_space<semaphore_mem>>) {add = true}
    %dma_start3A_44 = arith.constant 5 : i32
    %dma_start3A_45 = arith.constant 0 : i32
    %dma_start3A_46 = tpu.memref_slice %arg9[%dma_start3A_44, %dma_start3A_45] : memref<18x56xi32, #tpu.memory_space<vmem>> -> memref<1x56xi32, #tpu.memory_space<vmem>>
    %dma_start3A_47 = tpu.memref_squeeze %dma_start3A_46 : memref<1x56xi32, #tpu.memory_space<vmem>> -> memref<56xi32, #tpu.memory_space<vmem>>
    %dma_start3A_48 = arith.constant 0 : i32
    %dma_start3A_49 = arith.constant 0 : i32
    %dma_start3A_50 = tpu.memref_slice %arg13[%dma_start3A_48, %dma_start3A_49] : memref<10240x16xf32, #tpu.memory_space<vmem_shared>> -> memref<10240x16xf32, #tpu.memory_space<vmem_shared>>
    tpu.enqueue_indirect_dma source(%arg10 : memref<56x16xf32, #tpu.memory_space<vmem>>) target(%dma_start3A_50 : memref<10240x16xf32, #tpu.memory_space<vmem_shared>>) offsets(%dma_start3A_47 : memref<56xi32, #tpu.memory_space<vmem>>) semaphore(%arg14 : memref<!tpu.dma_semaphore, #tpu.memory_space<semaphore_mem>>) {add = true}
    %dma_start3A_51 = arith.constant 6 : i32
    %dma_start3A_52 = arith.constant 0 : i32
    %dma_start3A_53 = tpu.memref_slice %arg9[%dma_start3A_51, %dma_start3A_52] : memref<18x56xi32, #tpu.memory_space<vmem>> -> memref<1x56xi32, #tpu.memory_space<vmem>>
    %dma_start3A_54 = tpu.memref_squeeze %dma_start3A_53 : memref<1x56xi32, #tpu.memory_space<vmem>> -> memref<56xi32, #tpu.memory_space<vmem>>
    %dma_start3A_55 = arith.constant 0 : i32
    %dma_start3A_56 = arith.constant 0 : i32
    %dma_start3A_57 = tpu.memref_slice %arg13[%dma_start3A_55, %dma_start3A_56] : memref<10240x16xf32, #tpu.memory_space<vmem_shared>> -> memref<10240x16xf32, #tpu.memory_space<vmem_shared>>
    tpu.enqueue_indirect_dma source(%arg10 : memref<56x16xf32, #tpu.memory_space<vmem>>) target(%dma_start3A_57 : memref<10240x16xf32, #tpu.memory_space<vmem_shared>>) offsets(%dma_start3A_54 : memref<56xi32, #tpu.memory_space<vmem>>) semaphore(%arg14 : memref<!tpu.dma_semaphore, #tpu.memory_space<semaphore_mem>>) {add = true}
    %dma_start3A_58 = arith.constant 7 : i32
    %dma_start3A_59 = arith.constant 0 : i32
    %dma_start3A_60 = tpu.memref_slice %arg9[%dma_start3A_58, %dma_start3A_59] : memref<18x56xi32, #tpu.memory_space<vmem>> -> memref<1x56xi32, #tpu.memory_space<vmem>>
    %dma_start3A_61 = tpu.memref_squeeze %dma_start3A_60 : memref<1x56xi32, #tpu.memory_space<vmem>> -> memref<56xi32, #tpu.memory_space<vmem>>
    %dma_start3A_62 = arith.constant 0 : i32
    %dma_start3A_63 = arith.constant 0 : i32
    %dma_start3A_64 = tpu.memref_slice %arg13[%dma_start3A_62, %dma_start3A_63] : memref<10240x16xf32, #tpu.memory_space<vmem_shared>> -> memref<10240x16xf32, #tpu.memory_space<vmem_shared>>
    tpu.enqueue_indirect_dma source(%arg10 : memref<56x16xf32, #tpu.memory_space<vmem>>) target(%dma_start3A_64 : memref<10240x16xf32, #tpu.memory_space<vmem_shared>>) offsets(%dma_start3A_61 : memref<56xi32, #tpu.memory_space<vmem>>) semaphore(%arg14 : memref<!tpu.dma_semaphore, #tpu.memory_space<semaphore_mem>>) {add = true}
    %dma_start3A_65 = arith.constant 8 : i32
    %dma_start3A_66 = arith.constant 0 : i32
    %dma_start3A_67 = tpu.memref_slice %arg9[%dma_start3A_65, %dma_start3A_66] : memref<18x56xi32, #tpu.memory_space<vmem>> -> memref<1x56xi32, #tpu.memory_space<vmem>>
    %dma_start3A_68 = tpu.memref_squeeze %dma_start3A_67 : memref<1x56xi32, #tpu.memory_space<vmem>> -> memref<56xi32, #tpu.memory_space<vmem>>
    %dma_start3A_69 = arith.constant 0 : i32
    %dma_start3A_70 = arith.constant 0 : i32
    %dma_start3A_71 = tpu.memref_slice %arg13[%dma_start3A_69, %dma_start3A_70] : memref<10240x16xf32, #tpu.memory_space<vmem_shared>> -> memref<10240x16xf32, #tpu.memory_space<vmem_shared>>
    tpu.enqueue_indirect_dma source(%arg10 : memref<56x16xf32, #tpu.memory_space<vmem>>) target(%dma_start3A_71 : memref<10240x16xf32, #tpu.memory_space<vmem_shared>>) offsets(%dma_start3A_68 : memref<56xi32, #tpu.memory_space<vmem>>) semaphore(%arg14 : memref<!tpu.dma_semaphore, #tpu.memory_space<semaphore_mem>>) {add = true}
    %dma_start3A_72 = arith.constant 9 : i32
    %dma_start3A_73 = arith.constant 0 : i32
    %dma_start3A_74 = tpu.memref_slice %arg9[%dma_start3A_72, %dma_start3A_73] : memref<18x56xi32, #tpu.memory_space<vmem>> -> memref<1x56xi32, #tpu.memory_space<vmem>>
    %dma_start3A_75 = tpu.memref_squeeze %dma_start3A_74 : memref<1x56xi32, #tpu.memory_space<vmem>> -> memref<56xi32, #tpu.memory_space<vmem>>
    %dma_start3A_76 = arith.constant 0 : i32
    %dma_start3A_77 = arith.constant 0 : i32
    %dma_start3A_78 = tpu.memref_slice %arg13[%dma_start3A_76, %dma_start3A_77] : memref<10240x16xf32, #tpu.memory_space<vmem_shared>> -> memref<10240x16xf32, #tpu.memory_space<vmem_shared>>
    tpu.enqueue_indirect_dma source(%arg10 : memref<56x16xf32, #tpu.memory_space<vmem>>) target(%dma_start3A_78 : memref<10240x16xf32, #tpu.memory_space<vmem_shared>>) offsets(%dma_start3A_75 : memref<56xi32, #tpu.memory_space<vmem>>) semaphore(%arg14 : memref<!tpu.dma_semaphore, #tpu.memory_space<semaphore_mem>>) {add = true}
    %dma_start3A_79 = arith.constant 10 : i32
    %dma_start3A_80 = arith.constant 0 : i32
    %dma_start3A_81 = tpu.memref_slice %arg9[%dma_start3A_79, %dma_start3A_80] : memref<18x56xi32, #tpu.memory_space<vmem>> -> memref<1x56xi32, #tpu.memory_space<vmem>>
    %dma_start3A_82 = tpu.memref_squeeze %dma_start3A_81 : memref<1x56xi32, #tpu.memory_space<vmem>> -> memref<56xi32, #tpu.memory_space<vmem>>
    %dma_start3A_83 = arith.constant 0 : i32
    %dma_start3A_84 = arith.constant 0 : i32
    %dma_start3A_85 = tpu.memref_slice %arg13[%dma_start3A_83, %dma_start3A_84] : memref<10240x16xf32, #tpu.memory_space<vmem_shared>> -> memref<10240x16xf32, #tpu.memory_space<vmem_shared>>
    tpu.enqueue_indirect_dma source(%arg10 : memref<56x16xf32, #tpu.memory_space<vmem>>) target(%dma_start3A_85 : memref<10240x16xf32, #tpu.memory_space<vmem_shared>>) offsets(%dma_start3A_82 : memref<56xi32, #tpu.memory_space<vmem>>) semaphore(%arg14 : memref<!tpu.dma_semaphore, #tpu.memory_space<semaphore_mem>>) {add = true}
    %dma_start3A_86 = arith.constant 11 : i32
    %dma_start3A_87 = arith.constant 0 : i32
    %dma_start3A_88 = tpu.memref_slice %arg9[%dma_start3A_86, %dma_start3A_87] : memref<18x56xi32, #tpu.memory_space<vmem>> -> memref<1x56xi32, #tpu.memory_space<vmem>>
    %dma_start3A_89 = tpu.memref_squeeze %dma_start3A_88 : memref<1x56xi32, #tpu.memory_space<vmem>> -> memref<56xi32, #tpu.memory_space<vmem>>
    %dma_start3A_90 = arith.constant 0 : i32
    %dma_start3A_91 = arith.constant 0 : i32
    %dma_start3A_92 = tpu.memref_slice %arg13[%dma_start3A_90, %dma_start3A_91] : memref<10240x16xf32, #tpu.memory_space<vmem_shared>> -> memref<10240x16xf32, #tpu.memory_space<vmem_shared>>
    tpu.enqueue_indirect_dma source(%arg10 : memref<56x16xf32, #tpu.memory_space<vmem>>) target(%dma_start3A_92 : memref<10240x16xf32, #tpu.memory_space<vmem_shared>>) offsets(%dma_start3A_89 : memref<56xi32, #tpu.memory_space<vmem>>) semaphore(%arg14 : memref<!tpu.dma_semaphore, #tpu.memory_space<semaphore_mem>>) {add = true}
    %dma_start3A_93 = arith.constant 12 : i32
    %dma_start3A_94 = arith.constant 0 : i32
    %dma_start3A_95 = tpu.memref_slice %arg9[%dma_start3A_93, %dma_start3A_94] : memref<18x56xi32, #tpu.memory_space<vmem>> -> memref<1x56xi32, #tpu.memory_space<vmem>>
    %dma_start3A_96 = tpu.memref_squeeze %dma_start3A_95 : memref<1x56xi32, #tpu.memory_space<vmem>> -> memref<56xi32, #tpu.memory_space<vmem>>
    %dma_start3A_97 = arith.constant 0 : i32
    %dma_start3A_98 = arith.constant 0 : i32
    %dma_start3A_99 = tpu.memref_slice %arg13[%dma_start3A_97, %dma_start3A_98] : memref<10240x16xf32, #tpu.memory_space<vmem_shared>> -> memref<10240x16xf32, #tpu.memory_space<vmem_shared>>
    tpu.enqueue_indirect_dma source(%arg10 : memref<56x16xf32, #tpu.memory_space<vmem>>) target(%dma_start3A_99 : memref<10240x16xf32, #tpu.memory_space<vmem_shared>>) offsets(%dma_start3A_96 : memref<56xi32, #tpu.memory_space<vmem>>) semaphore(%arg14 : memref<!tpu.dma_semaphore, #tpu.memory_space<semaphore_mem>>) {add = true}
    %dma_start3A_100 = arith.constant 13 : i32
    %dma_start3A_101 = arith.constant 0 : i32
    %dma_start3A_102 = tpu.memref_slice %arg9[%dma_start3A_100, %dma_start3A_101] : memref<18x56xi32, #tpu.memory_space<vmem>> -> memref<1x56xi32, #tpu.memory_space<vmem>>
    %dma_start3A_103 = tpu.memref_squeeze %dma_start3A_102 : memref<1x56xi32, #tpu.memory_space<vmem>> -> memref<56xi32, #tpu.memory_space<vmem>>
    %dma_start3A_104 = arith.constant 0 : i32
    %dma_start3A_105 = arith.constant 0 : i32
    %dma_start3A_106 = tpu.memref_slice %arg13[%dma_start3A_104, %dma_start3A_105] : memref<10240x16xf32, #tpu.memory_space<vmem_shared>> -> memref<10240x16xf32, #tpu.memory_space<vmem_shared>>
    tpu.enqueue_indirect_dma source(%arg10 : memref<56x16xf32, #tpu.memory_space<vmem>>) target(%dma_start3A_106 : memref<10240x16xf32, #tpu.memory_space<vmem_shared>>) offsets(%dma_start3A_103 : memref<56xi32, #tpu.memory_space<vmem>>) semaphore(%arg14 : memref<!tpu.dma_semaphore, #tpu.memory_space<semaphore_mem>>) {add = true}
    %dma_start3A_107 = arith.constant 14 : i32
    %dma_start3A_108 = arith.constant 0 : i32
    %dma_start3A_109 = tpu.memref_slice %arg9[%dma_start3A_107, %dma_start3A_108] : memref<18x56xi32, #tpu.memory_space<vmem>> -> memref<1x56xi32, #tpu.memory_space<vmem>>
    %dma_start3A_110 = tpu.memref_squeeze %dma_start3A_109 : memref<1x56xi32, #tpu.memory_space<vmem>> -> memref<56xi32, #tpu.memory_space<vmem>>
    %dma_start3A_111 = arith.constant 0 : i32
    %dma_start3A_112 = arith.constant 0 : i32
    %dma_start3A_113 = tpu.memref_slice %arg13[%dma_start3A_111, %dma_start3A_112] : memref<10240x16xf32, #tpu.memory_space<vmem_shared>> -> memref<10240x16xf32, #tpu.memory_space<vmem_shared>>
    tpu.enqueue_indirect_dma source(%arg10 : memref<56x16xf32, #tpu.memory_space<vmem>>) target(%dma_start3A_113 : memref<10240x16xf32, #tpu.memory_space<vmem_shared>>) offsets(%dma_start3A_110 : memref<56xi32, #tpu.memory_space<vmem>>) semaphore(%arg14 : memref<!tpu.dma_semaphore, #tpu.memory_space<semaphore_mem>>) {add = true}
    %dma_start3A_114 = arith.constant 15 : i32
    %dma_start3A_115 = arith.constant 0 : i32
    %dma_start3A_116 = tpu.memref_slice %arg9[%dma_start3A_114, %dma_start3A_115] : memref<18x56xi32, #tpu.memory_space<vmem>> -> memref<1x56xi32, #tpu.memory_space<vmem>>
    %dma_start3A_117 = tpu.memref_squeeze %dma_start3A_116 : memref<1x56xi32, #tpu.memory_space<vmem>> -> memref<56xi32, #tpu.memory_space<vmem>>
    %dma_start3A_118 = arith.constant 0 : i32
    %dma_start3A_119 = arith.constant 0 : i32
    %dma_start3A_120 = tpu.memref_slice %arg13[%dma_start3A_118, %dma_start3A_119] : memref<10240x16xf32, #tpu.memory_space<vmem_shared>> -> memref<10240x16xf32, #tpu.memory_space<vmem_shared>>
    tpu.enqueue_indirect_dma source(%arg10 : memref<56x16xf32, #tpu.memory_space<vmem>>) target(%dma_start3A_120 : memref<10240x16xf32, #tpu.memory_space<vmem_shared>>) offsets(%dma_start3A_117 : memref<56xi32, #tpu.memory_space<vmem>>) semaphore(%arg14 : memref<!tpu.dma_semaphore, #tpu.memory_space<semaphore_mem>>) {add = true}
    %dma_start3A_121 = arith.constant 16 : i32
    %dma_start3A_122 = arith.constant 0 : i32
    %dma_start3A_123 = tpu.memref_slice %arg9[%dma_start3A_121, %dma_start3A_122] : memref<18x56xi32, #tpu.memory_space<vmem>> -> memref<1x56xi32, #tpu.memory_space<vmem>>
    %dma_start3A_124 = tpu.memref_squeeze %dma_start3A_123 : memref<1x56xi32, #tpu.memory_space<vmem>> -> memref<56xi32, #tpu.memory_space<vmem>>
    %dma_start3A_125 = arith.constant 0 : i32
    %dma_start3A_126 = arith.constant 0 : i32
    %dma_start3A_127 = tpu.memref_slice %arg13[%dma_start3A_125, %dma_start3A_126] : memref<10240x16xf32, #tpu.memory_space<vmem_shared>> -> memref<10240x16xf32, #tpu.memory_space<vmem_shared>>
    tpu.enqueue_indirect_dma source(%arg10 : memref<56x16xf32, #tpu.memory_space<vmem>>) target(%dma_start3A_127 : memref<10240x16xf32, #tpu.memory_space<vmem_shared>>) offsets(%dma_start3A_124 : memref<56xi32, #tpu.memory_space<vmem>>) semaphore(%arg14 : memref<!tpu.dma_semaphore, #tpu.memory_space<semaphore_mem>>) {add = true}
    %dma_start3A_128 = arith.constant 17 : i32
    %dma_start3A_129 = arith.constant 0 : i32
    %dma_start3A_130 = tpu.memref_slice %arg9[%dma_start3A_128, %dma_start3A_129] : memref<18x56xi32, #tpu.memory_space<vmem>> -> memref<1x56xi32, #tpu.memory_space<vmem>>
    %dma_start3A_131 = tpu.memref_squeeze %dma_start3A_130 : memref<1x56xi32, #tpu.memory_space<vmem>> -> memref<56xi32, #tpu.memory_space<vmem>>
    %dma_start3A_132 = arith.constant 0 : i32
    %dma_start3A_133 = arith.constant 0 : i32
    %dma_start3A_134 = tpu.memref_slice %arg13[%dma_start3A_132, %dma_start3A_133] : memref<10240x16xf32, #tpu.memory_space<vmem_shared>> -> memref<10240x16xf32, #tpu.memory_space<vmem_shared>>
    tpu.enqueue_indirect_dma source(%arg10 : memref<56x16xf32, #tpu.memory_space<vmem>>) target(%dma_start3A_134 : memref<10240x16xf32, #tpu.memory_space<vmem_shared>>) offsets(%dma_start3A_131 : memref<56xi32, #tpu.memory_space<vmem>>) semaphore(%arg14 : memref<!tpu.dma_semaphore, #tpu.memory_space<semaphore_mem>>) {add = true}
    %scan3A_135 = arith.constant 0 : i32
    %scan3A_136 = arith.constant 0 : i32
    %scan3A_137 = arith.constant 179 : i32
    %scan3A_138 = arith.addi %scan3A_136, %scan3A_137 : i32
    %scan3A_139 = arith.constant 1 : i32
    scf.for %scan3A_281 = %scan3A_136 to %scan3A_138 step %scan3A_139  : i32 {
      %dma_wait3A_282 = arith.constant 0 : i32
      %dma_wait3A_283 = tpu.memref_slice %arg8[%scan3A_281, %dma_wait3A_282] : memref<179x56xi32, #tpu.memory_space<vmem>> -> memref<1x56xi32, #tpu.memory_space<vmem>>
      %dma_wait3A_284 = tpu.memref_squeeze %dma_wait3A_283 : memref<1x56xi32, #tpu.memory_space<vmem>> -> memref<56xi32, #tpu.memory_space<vmem>>
      %dma_wait3A_285 = arith.constant 0 : i32
      %dma_wait3A_286 = arith.constant 0 : i32
      %dma_wait3A_287 = tpu.memref_slice %arg12[%dma_wait3A_285, %dma_wait3A_286] : memref<10240x16xf32, #tpu.memory_space<vmem_shared>> -> memref<10240x16xf32, #tpu.memory_space<vmem_shared>>
      tpu.wait_indirect_dma semaphore(%arg14 : memref<!tpu.dma_semaphore, #tpu.memory_space<semaphore_mem>>) src(%arg10 : memref<56x16xf32, #tpu.memory_space<vmem>>) dst(%dma_wait3A_287 : memref<10240x16xf32, #tpu.memory_space<vmem_shared>>)
    }
    %scan3A_140 = arith.constant 179 : i32
    %dma_wait3A = arith.constant 0 : i32
    %dma_wait3A_141 = arith.constant 0 : i32
    %dma_wait3A_142 = tpu.memref_slice %arg9[%dma_wait3A, %dma_wait3A_141] : memref<18x56xi32, #tpu.memory_space<vmem>> -> memref<1x56xi32, #tpu.memory_space<vmem>>
    %dma_wait3A_143 = tpu.memref_squeeze %dma_wait3A_142 : memref<1x56xi32, #tpu.memory_space<vmem>> -> memref<56xi32, #tpu.memory_space<vmem>>
    %dma_wait3A_144 = arith.constant 0 : i32
    %dma_wait3A_145 = arith.constant 0 : i32
    %dma_wait3A_146 = tpu.memref_slice %arg13[%dma_wait3A_144, %dma_wait3A_145] : memref<10240x16xf32, #tpu.memory_space<vmem_shared>> -> memref<10240x16xf32, #tpu.memory_space<vmem_shared>>
    tpu.wait_indirect_dma semaphore(%arg14 : memref<!tpu.dma_semaphore, #tpu.memory_space<semaphore_mem>>) src(%arg10 : memref<56x16xf32, #tpu.memory_space<vmem>>) dst(%dma_wait3A_146 : memref<10240x16xf32, #tpu.memory_space<vmem_shared>>)
    %dma_wait3A_147 = arith.constant 1 : i32
    %dma_wait3A_148 = arith.constant 0 : i32
    %dma_wait3A_149 = tpu.memref_slice %arg9[%dma_wait3A_147, %dma_wait3A_148] : memref<18x56xi32, #tpu.memory_space<vmem>> -> memref<1x56xi32, #tpu.memory_space<vmem>>
    %dma_wait3A_150 = tpu.memref_squeeze %dma_wait3A_149 : memref<1x56xi32, #tpu.memory_space<vmem>> -> memref<56xi32, #tpu.memory_space<vmem>>
    %dma_wait3A_151 = arith.constant 0 : i32
    %dma_wait3A_152 = arith.constant 0 : i32
    %dma_wait3A_153 = tpu.memref_slice %arg13[%dma_wait3A_151, %dma_wait3A_152] : memref<10240x16xf32, #tpu.memory_space<vmem_shared>> -> memref<10240x16xf32, #tpu.memory_space<vmem_shared>>
    tpu.wait_indirect_dma semaphore(%arg14 : memref<!tpu.dma_semaphore, #tpu.memory_space<semaphore_mem>>) src(%arg10 : memref<56x16xf32, #tpu.memory_space<vmem>>) dst(%dma_wait3A_153 : memref<10240x16xf32, #tpu.memory_space<vmem_shared>>)
    %dma_wait3A_154 = arith.constant 2 : i32
    %dma_wait3A_155 = arith.constant 0 : i32
    %dma_wait3A_156 = tpu.memref_slice %arg9[%dma_wait3A_154, %dma_wait3A_155] : memref<18x56xi32, #tpu.memory_space<vmem>> -> memref<1x56xi32, #tpu.memory_space<vmem>>
    %dma_wait3A_157 = tpu.memref_squeeze %dma_wait3A_156 : memref<1x56xi32, #tpu.memory_space<vmem>> -> memref<56xi32, #tpu.memory_space<vmem>>
    %dma_wait3A_158 = arith.constant 0 : i32
    %dma_wait3A_159 = arith.constant 0 : i32
    %dma_wait3A_160 = tpu.memref_slice %arg13[%dma_wait3A_158, %dma_wait3A_159] : memref<10240x16xf32, #tpu.memory_space<vmem_shared>> -> memref<10240x16xf32, #tpu.memory_space<vmem_shared>>
    tpu.wait_indirect_dma semaphore(%arg14 : memref<!tpu.dma_semaphore, #tpu.memory_space<semaphore_mem>>) src(%arg10 : memref<56x16xf32, #tpu.memory_space<vmem>>) dst(%dma_wait3A_160 : memref<10240x16xf32, #tpu.memory_space<vmem_shared>>)
    %dma_wait3A_161 = arith.constant 3 : i32
    %dma_wait3A_162 = arith.constant 0 : i32
    %dma_wait3A_163 = tpu.memref_slice %arg9[%dma_wait3A_161, %dma_wait3A_162] : memref<18x56xi32, #tpu.memory_space<vmem>> -> memref<1x56xi32, #tpu.memory_space<vmem>>
    %dma_wait3A_164 = tpu.memref_squeeze %dma_wait3A_163 : memref<1x56xi32, #tpu.memory_space<vmem>> -> memref<56xi32, #tpu.memory_space<vmem>>
    %dma_wait3A_165 = arith.constant 0 : i32
    %dma_wait3A_166 = arith.constant 0 : i32
    %dma_wait3A_167 = tpu.memref_slice %arg13[%dma_wait3A_165, %dma_wait3A_166] : memref<10240x16xf32, #tpu.memory_space<vmem_shared>> -> memref<10240x16xf32, #tpu.memory_space<vmem_shared>>
    tpu.wait_indirect_dma semaphore(%arg14 : memref<!tpu.dma_semaphore, #tpu.memory_space<semaphore_mem>>) src(%arg10 : memref<56x16xf32, #tpu.memory_space<vmem>>) dst(%dma_wait3A_167 : memref<10240x16xf32, #tpu.memory_space<vmem_shared>>)
    %dma_wait3A_168 = arith.constant 4 : i32
    %dma_wait3A_169 = arith.constant 0 : i32
    %dma_wait3A_170 = tpu.memref_slice %arg9[%dma_wait3A_168, %dma_wait3A_169] : memref<18x56xi32, #tpu.memory_space<vmem>> -> memref<1x56xi32, #tpu.memory_space<vmem>>
    %dma_wait3A_171 = tpu.memref_squeeze %dma_wait3A_170 : memref<1x56xi32, #tpu.memory_space<vmem>> -> memref<56xi32, #tpu.memory_space<vmem>>
    %dma_wait3A_172 = arith.constant 0 : i32
    %dma_wait3A_173 = arith.constant 0 : i32
    %dma_wait3A_174 = tpu.memref_slice %arg13[%dma_wait3A_172, %dma_wait3A_173] : memref<10240x16xf32, #tpu.memory_space<vmem_shared>> -> memref<10240x16xf32, #tpu.memory_space<vmem_shared>>
    tpu.wait_indirect_dma semaphore(%arg14 : memref<!tpu.dma_semaphore, #tpu.memory_space<semaphore_mem>>) src(%arg10 : memref<56x16xf32, #tpu.memory_space<vmem>>) dst(%dma_wait3A_174 : memref<10240x16xf32, #tpu.memory_space<vmem_shared>>)
    %dma_wait3A_175 = arith.constant 5 : i32
    %dma_wait3A_176 = arith.constant 0 : i32
    %dma_wait3A_177 = tpu.memref_slice %arg9[%dma_wait3A_175, %dma_wait3A_176] : memref<18x56xi32, #tpu.memory_space<vmem>> -> memref<1x56xi32, #tpu.memory_space<vmem>>
    %dma_wait3A_178 = tpu.memref_squeeze %dma_wait3A_177 : memref<1x56xi32, #tpu.memory_space<vmem>> -> memref<56xi32, #tpu.memory_space<vmem>>
    %dma_wait3A_179 = arith.constant 0 : i32
    %dma_wait3A_180 = arith.constant 0 : i32
    %dma_wait3A_181 = tpu.memref_slice %arg13[%dma_wait3A_179, %dma_wait3A_180] : memref<10240x16xf32, #tpu.memory_space<vmem_shared>> -> memref<10240x16xf32, #tpu.memory_space<vmem_shared>>
    tpu.wait_indirect_dma semaphore(%arg14 : memref<!tpu.dma_semaphore, #tpu.memory_space<semaphore_mem>>) src(%arg10 : memref<56x16xf32, #tpu.memory_space<vmem>>) dst(%dma_wait3A_181 : memref<10240x16xf32, #tpu.memory_space<vmem_shared>>)
    %dma_wait3A_182 = arith.constant 6 : i32
    %dma_wait3A_183 = arith.constant 0 : i32
    %dma_wait3A_184 = tpu.memref_slice %arg9[%dma_wait3A_182, %dma_wait3A_183] : memref<18x56xi32, #tpu.memory_space<vmem>> -> memref<1x56xi32, #tpu.memory_space<vmem>>
    %dma_wait3A_185 = tpu.memref_squeeze %dma_wait3A_184 : memref<1x56xi32, #tpu.memory_space<vmem>> -> memref<56xi32, #tpu.memory_space<vmem>>
    %dma_wait3A_186 = arith.constant 0 : i32
    %dma_wait3A_187 = arith.constant 0 : i32
    %dma_wait3A_188 = tpu.memref_slice %arg13[%dma_wait3A_186, %dma_wait3A_187] : memref<10240x16xf32, #tpu.memory_space<vmem_shared>> -> memref<10240x16xf32, #tpu.memory_space<vmem_shared>>
    tpu.wait_indirect_dma semaphore(%arg14 : memref<!tpu.dma_semaphore, #tpu.memory_space<semaphore_mem>>) src(%arg10 : memref<56x16xf32, #tpu.memory_space<vmem>>) dst(%dma_wait3A_188 : memref<10240x16xf32, #tpu.memory_space<vmem_shared>>)
    %dma_wait3A_189 = arith.constant 7 : i32
    %dma_wait3A_190 = arith.constant 0 : i32
    %dma_wait3A_191 = tpu.memref_slice %arg9[%dma_wait3A_189, %dma_wait3A_190] : memref<18x56xi32, #tpu.memory_space<vmem>> -> memref<1x56xi32, #tpu.memory_space<vmem>>
    %dma_wait3A_192 = tpu.memref_squeeze %dma_wait3A_191 : memref<1x56xi32, #tpu.memory_space<vmem>> -> memref<56xi32, #tpu.memory_space<vmem>>
    %dma_wait3A_193 = arith.constant 0 : i32
    %dma_wait3A_194 = arith.constant 0 : i32
    %dma_wait3A_195 = tpu.memref_slice %arg13[%dma_wait3A_193, %dma_wait3A_194] : memref<10240x16xf32, #tpu.memory_space<vmem_shared>> -> memref<10240x16xf32, #tpu.memory_space<vmem_shared>>
    tpu.wait_indirect_dma semaphore(%arg14 : memref<!tpu.dma_semaphore, #tpu.memory_space<semaphore_mem>>) src(%arg10 : memref<56x16xf32, #tpu.memory_space<vmem>>) dst(%dma_wait3A_195 : memref<10240x16xf32, #tpu.memory_space<vmem_shared>>)
    %dma_wait3A_196 = arith.constant 8 : i32
    %dma_wait3A_197 = arith.constant 0 : i32
    %dma_wait3A_198 = tpu.memref_slice %arg9[%dma_wait3A_196, %dma_wait3A_197] : memref<18x56xi32, #tpu.memory_space<vmem>> -> memref<1x56xi32, #tpu.memory_space<vmem>>
    %dma_wait3A_199 = tpu.memref_squeeze %dma_wait3A_198 : memref<1x56xi32, #tpu.memory_space<vmem>> -> memref<56xi32, #tpu.memory_space<vmem>>
    %dma_wait3A_200 = arith.constant 0 : i32
    %dma_wait3A_201 = arith.constant 0 : i32
    %dma_wait3A_202 = tpu.memref_slice %arg13[%dma_wait3A_200, %dma_wait3A_201] : memref<10240x16xf32, #tpu.memory_space<vmem_shared>> -> memref<10240x16xf32, #tpu.memory_space<vmem_shared>>
    tpu.wait_indirect_dma semaphore(%arg14 : memref<!tpu.dma_semaphore, #tpu.memory_space<semaphore_mem>>) src(%arg10 : memref<56x16xf32, #tpu.memory_space<vmem>>) dst(%dma_wait3A_202 : memref<10240x16xf32, #tpu.memory_space<vmem_shared>>)
    %dma_wait3A_203 = arith.constant 9 : i32
    %dma_wait3A_204 = arith.constant 0 : i32
    %dma_wait3A_205 = tpu.memref_slice %arg9[%dma_wait3A_203, %dma_wait3A_204] : memref<18x56xi32, #tpu.memory_space<vmem>> -> memref<1x56xi32, #tpu.memory_space<vmem>>
    %dma_wait3A_206 = tpu.memref_squeeze %dma_wait3A_205 : memref<1x56xi32, #tpu.memory_space<vmem>> -> memref<56xi32, #tpu.memory_space<vmem>>
    %dma_wait3A_207 = arith.constant 0 : i32
    %dma_wait3A_208 = arith.constant 0 : i32
    %dma_wait3A_209 = tpu.memref_slice %arg13[%dma_wait3A_207, %dma_wait3A_208] : memref<10240x16xf32, #tpu.memory_space<vmem_shared>> -> memref<10240x16xf32, #tpu.memory_space<vmem_shared>>
    tpu.wait_indirect_dma semaphore(%arg14 : memref<!tpu.dma_semaphore, #tpu.memory_space<semaphore_mem>>) src(%arg10 : memref<56x16xf32, #tpu.memory_space<vmem>>) dst(%dma_wait3A_209 : memref<10240x16xf32, #tpu.memory_space<vmem_shared>>)
    %dma_wait3A_210 = arith.constant 10 : i32
    %dma_wait3A_211 = arith.constant 0 : i32
    %dma_wait3A_212 = tpu.memref_slice %arg9[%dma_wait3A_210, %dma_wait3A_211] : memref<18x56xi32, #tpu.memory_space<vmem>> -> memref<1x56xi32, #tpu.memory_space<vmem>>
    %dma_wait3A_213 = tpu.memref_squeeze %dma_wait3A_212 : memref<1x56xi32, #tpu.memory_space<vmem>> -> memref<56xi32, #tpu.memory_space<vmem>>
    %dma_wait3A_214 = arith.constant 0 : i32
    %dma_wait3A_215 = arith.constant 0 : i32
    %dma_wait3A_216 = tpu.memref_slice %arg13[%dma_wait3A_214, %dma_wait3A_215] : memref<10240x16xf32, #tpu.memory_space<vmem_shared>> -> memref<10240x16xf32, #tpu.memory_space<vmem_shared>>
    tpu.wait_indirect_dma semaphore(%arg14 : memref<!tpu.dma_semaphore, #tpu.memory_space<semaphore_mem>>) src(%arg10 : memref<56x16xf32, #tpu.memory_space<vmem>>) dst(%dma_wait3A_216 : memref<10240x16xf32, #tpu.memory_space<vmem_shared>>)
    %dma_wait3A_217 = arith.constant 11 : i32
    %dma_wait3A_218 = arith.constant 0 : i32
    %dma_wait3A_219 = tpu.memref_slice %arg9[%dma_wait3A_217, %dma_wait3A_218] : memref<18x56xi32, #tpu.memory_space<vmem>> -> memref<1x56xi32, #tpu.memory_space<vmem>>
    %dma_wait3A_220 = tpu.memref_squeeze %dma_wait3A_219 : memref<1x56xi32, #tpu.memory_space<vmem>> -> memref<56xi32, #tpu.memory_space<vmem>>
    %dma_wait3A_221 = arith.constant 0 : i32
    %dma_wait3A_222 = arith.constant 0 : i32
    %dma_wait3A_223 = tpu.memref_slice %arg13[%dma_wait3A_221, %dma_wait3A_222] : memref<10240x16xf32, #tpu.memory_space<vmem_shared>> -> memref<10240x16xf32, #tpu.memory_space<vmem_shared>>
    tpu.wait_indirect_dma semaphore(%arg14 : memref<!tpu.dma_semaphore, #tpu.memory_space<semaphore_mem>>) src(%arg10 : memref<56x16xf32, #tpu.memory_space<vmem>>) dst(%dma_wait3A_223 : memref<10240x16xf32, #tpu.memory_space<vmem_shared>>)
    %dma_wait3A_224 = arith.constant 12 : i32
    %dma_wait3A_225 = arith.constant 0 : i32
    %dma_wait3A_226 = tpu.memref_slice %arg9[%dma_wait3A_224, %dma_wait3A_225] : memref<18x56xi32, #tpu.memory_space<vmem>> -> memref<1x56xi32, #tpu.memory_space<vmem>>
    %dma_wait3A_227 = tpu.memref_squeeze %dma_wait3A_226 : memref<1x56xi32, #tpu.memory_space<vmem>> -> memref<56xi32, #tpu.memory_space<vmem>>
    %dma_wait3A_228 = arith.constant 0 : i32
    %dma_wait3A_229 = arith.constant 0 : i32
    %dma_wait3A_230 = tpu.memref_slice %arg13[%dma_wait3A_228, %dma_wait3A_229] : memref<10240x16xf32, #tpu.memory_space<vmem_shared>> -> memref<10240x16xf32, #tpu.memory_space<vmem_shared>>
    tpu.wait_indirect_dma semaphore(%arg14 : memref<!tpu.dma_semaphore, #tpu.memory_space<semaphore_mem>>) src(%arg10 : memref<56x16xf32, #tpu.memory_space<vmem>>) dst(%dma_wait3A_230 : memref<10240x16xf32, #tpu.memory_space<vmem_shared>>)
    %dma_wait3A_231 = arith.constant 13 : i32
    %dma_wait3A_232 = arith.constant 0 : i32
    %dma_wait3A_233 = tpu.memref_slice %arg9[%dma_wait3A_231, %dma_wait3A_232] : memref<18x56xi32, #tpu.memory_space<vmem>> -> memref<1x56xi32, #tpu.memory_space<vmem>>
    %dma_wait3A_234 = tpu.memref_squeeze %dma_wait3A_233 : memref<1x56xi32, #tpu.memory_space<vmem>> -> memref<56xi32, #tpu.memory_space<vmem>>
    %dma_wait3A_235 = arith.constant 0 : i32
    %dma_wait3A_236 = arith.constant 0 : i32
    %dma_wait3A_237 = tpu.memref_slice %arg13[%dma_wait3A_235, %dma_wait3A_236] : memref<10240x16xf32, #tpu.memory_space<vmem_shared>> -> memref<10240x16xf32, #tpu.memory_space<vmem_shared>>
    tpu.wait_indirect_dma semaphore(%arg14 : memref<!tpu.dma_semaphore, #tpu.memory_space<semaphore_mem>>) src(%arg10 : memref<56x16xf32, #tpu.memory_space<vmem>>) dst(%dma_wait3A_237 : memref<10240x16xf32, #tpu.memory_space<vmem_shared>>)
    %dma_wait3A_238 = arith.constant 14 : i32
    %dma_wait3A_239 = arith.constant 0 : i32
    %dma_wait3A_240 = tpu.memref_slice %arg9[%dma_wait3A_238, %dma_wait3A_239] : memref<18x56xi32, #tpu.memory_space<vmem>> -> memref<1x56xi32, #tpu.memory_space<vmem>>
    %dma_wait3A_241 = tpu.memref_squeeze %dma_wait3A_240 : memref<1x56xi32, #tpu.memory_space<vmem>> -> memref<56xi32, #tpu.memory_space<vmem>>
    %dma_wait3A_242 = arith.constant 0 : i32
    %dma_wait3A_243 = arith.constant 0 : i32
    %dma_wait3A_244 = tpu.memref_slice %arg13[%dma_wait3A_242, %dma_wait3A_243] : memref<10240x16xf32, #tpu.memory_space<vmem_shared>> -> memref<10240x16xf32, #tpu.memory_space<vmem_shared>>
    tpu.wait_indirect_dma semaphore(%arg14 : memref<!tpu.dma_semaphore, #tpu.memory_space<semaphore_mem>>) src(%arg10 : memref<56x16xf32, #tpu.memory_space<vmem>>) dst(%dma_wait3A_244 : memref<10240x16xf32, #tpu.memory_space<vmem_shared>>)
    %dma_wait3A_245 = arith.constant 15 : i32
    %dma_wait3A_246 = arith.constant 0 : i32
    %dma_wait3A_247 = tpu.memref_slice %arg9[%dma_wait3A_245, %dma_wait3A_246] : memref<18x56xi32, #tpu.memory_space<vmem>> -> memref<1x56xi32, #tpu.memory_space<vmem>>
    %dma_wait3A_248 = tpu.memref_squeeze %dma_wait3A_247 : memref<1x56xi32, #tpu.memory_space<vmem>> -> memref<56xi32, #tpu.memory_space<vmem>>
    %dma_wait3A_249 = arith.constant 0 : i32
    %dma_wait3A_250 = arith.constant 0 : i32
    %dma_wait3A_251 = tpu.memref_slice %arg13[%dma_wait3A_249, %dma_wait3A_250] : memref<10240x16xf32, #tpu.memory_space<vmem_shared>> -> memref<10240x16xf32, #tpu.memory_space<vmem_shared>>
    tpu.wait_indirect_dma semaphore(%arg14 : memref<!tpu.dma_semaphore, #tpu.memory_space<semaphore_mem>>) src(%arg10 : memref<56x16xf32, #tpu.memory_space<vmem>>) dst(%dma_wait3A_251 : memref<10240x16xf32, #tpu.memory_space<vmem_shared>>)
    %dma_wait3A_252 = arith.constant 16 : i32
    %dma_wait3A_253 = arith.constant 0 : i32
    %dma_wait3A_254 = tpu.memref_slice %arg9[%dma_wait3A_252, %dma_wait3A_253] : memref<18x56xi32, #tpu.memory_space<vmem>> -> memref<1x56xi32, #tpu.memory_space<vmem>>
    %dma_wait3A_255 = tpu.memref_squeeze %dma_wait3A_254 : memref<1x56xi32, #tpu.memory_space<vmem>> -> memref<56xi32, #tpu.memory_space<vmem>>
    %dma_wait3A_256 = arith.constant 0 : i32
    %dma_wait3A_257 = arith.constant 0 : i32
    %dma_wait3A_258 = tpu.memref_slice %arg13[%dma_wait3A_256, %dma_wait3A_257] : memref<10240x16xf32, #tpu.memory_space<vmem_shared>> -> memref<10240x16xf32, #tpu.memory_space<vmem_shared>>
    tpu.wait_indirect_dma semaphore(%arg14 : memref<!tpu.dma_semaphore, #tpu.memory_space<semaphore_mem>>) src(%arg10 : memref<56x16xf32, #tpu.memory_space<vmem>>) dst(%dma_wait3A_258 : memref<10240x16xf32, #tpu.memory_space<vmem_shared>>)
    %dma_wait3A_259 = arith.constant 17 : i32
    %dma_wait3A_260 = arith.constant 0 : i32
    %dma_wait3A_261 = tpu.memref_slice %arg9[%dma_wait3A_259, %dma_wait3A_260] : memref<18x56xi32, #tpu.memory_space<vmem>> -> memref<1x56xi32, #tpu.memory_space<vmem>>
    %dma_wait3A_262 = tpu.memref_squeeze %dma_wait3A_261 : memref<1x56xi32, #tpu.memory_space<vmem>> -> memref<56xi32, #tpu.memory_space<vmem>>
    %dma_wait3A_263 = arith.constant 0 : i32
    %dma_wait3A_264 = arith.constant 0 : i32
    %dma_wait3A_265 = tpu.memref_slice %arg13[%dma_wait3A_263, %dma_wait3A_264] : memref<10240x16xf32, #tpu.memory_space<vmem_shared>> -> memref<10240x16xf32, #tpu.memory_space<vmem_shared>>
    tpu.wait_indirect_dma semaphore(%arg14 : memref<!tpu.dma_semaphore, #tpu.memory_space<semaphore_mem>>) src(%arg10 : memref<56x16xf32, #tpu.memory_space<vmem>>) dst(%dma_wait3A_265 : memref<10240x16xf32, #tpu.memory_space<vmem_shared>>)
    %barrier3A_266 = arith.constant 0 : index
    tpu.barrier barrier_id(%barrier3A_266)
    %mul3A_267 = arith.constant 640 : i32
    %mul3A_268 = arith.muli %arg1, %mul3A_267 : i32
    %mul3A_269 = arith.constant 16 : i32
    %mul3A_270 = arith.muli %arg0, %mul3A_269 : i32
    %add3A_271 = arith.addi %mul3A_270, %arg1 : i32
    %mul3A_272 = arith.constant 640 : i32
    %mul3A_273 = arith.muli %add3A_271, %mul3A_272 : i32
    "tpu.region"() ({
      %run_scoped3A = tpu.sem_alloc : memref<!tpu.dma_semaphore, #tpu.memory_space<semaphore_mem>>
      %dma_start3A_281 = arith.constant 0 : i32
      %dma_start3A_282 = tpu.memref_slice %arg6[%mul3A_273, %dma_start3A_281] : memref<20480x16xf32, #tpu.memory_space<hbm>> -> memref<640x16xf32, #tpu.memory_space<hbm>>
      %dma_start3A_283 = arith.constant 0 : i32
      %dma_start3A_284 = tpu.memref_slice %arg12[%mul3A_268, %dma_start3A_283] : memref<10240x16xf32, #tpu.memory_space<vmem_shared>> -> memref<640x16xf32, #tpu.memory_space<vmem_shared>>
      tpu.enqueue_dma source(%dma_start3A_284 : memref<640x16xf32, #tpu.memory_space<vmem_shared>>) target(%dma_start3A_282 : memref<640x16xf32, #tpu.memory_space<hbm>>) target_semaphore(%run_scoped3A : memref<!tpu.dma_semaphore, #tpu.memory_space<semaphore_mem>>)
      %dma_wait3A_285 = arith.constant 0 : i32
      %dma_wait3A_286 = tpu.memref_slice %arg6[%mul3A_273, %dma_wait3A_285] : memref<20480x16xf32, #tpu.memory_space<hbm>> -> memref<640x16xf32, #tpu.memory_space<hbm>>
      %dma_wait3A_287 = arith.constant 0 : i32
      %dma_wait3A_288 = tpu.memref_slice %arg12[%mul3A_268, %dma_wait3A_287] : memref<10240x16xf32, #tpu.memory_space<vmem_shared>> -> memref<640x16xf32, #tpu.memory_space<vmem_shared>>
      tpu.wait_dma2 semaphore(%run_scoped3A : memref<!tpu.dma_semaphore, #tpu.memory_space<semaphore_mem>>) src(%dma_wait3A_288 : memref<640x16xf32, #tpu.memory_space<vmem_shared>>) dst(%dma_wait3A_286 : memref<640x16xf32, #tpu.memory_space<hbm>>)
      tpu.yield
    }) : () -> ()
    %mul3A_274 = arith.constant 640 : i32
    %mul3A_275 = arith.muli %arg1, %mul3A_274 : i32
    %mul3A_276 = arith.constant 16 : i32
    %mul3A_277 = arith.muli %arg0, %mul3A_276 : i32
    %add3A_278 = arith.addi %mul3A_277, %arg1 : i32
    %mul3A_279 = arith.constant 640 : i32
    %mul3A_280 = arith.muli %add3A_278, %mul3A_279 : i32
    "tpu.region"() ({
      %run_scoped3A = tpu.sem_alloc : memref<!tpu.dma_semaphore, #tpu.memory_space<semaphore_mem>>
      %dma_start3A_281 = arith.constant 0 : i32
      %dma_start3A_282 = tpu.memref_slice %arg7[%mul3A_280, %dma_start3A_281] : memref<20480x16xf32, #tpu.memory_space<hbm>> -> memref<640x16xf32, #tpu.memory_space<hbm>>
      %dma_start3A_283 = arith.constant 0 : i32
      %dma_start3A_284 = tpu.memref_slice %arg13[%mul3A_275, %dma_start3A_283] : memref<10240x16xf32, #tpu.memory_space<vmem_shared>> -> memref<640x16xf32, #tpu.memory_space<vmem_shared>>
      tpu.enqueue_dma source(%dma_start3A_284 : memref<640x16xf32, #tpu.memory_space<vmem_shared>>) target(%dma_start3A_282 : memref<640x16xf32, #tpu.memory_space<hbm>>) target_semaphore(%run_scoped3A : memref<!tpu.dma_semaphore, #tpu.memory_space<semaphore_mem>>)
      %dma_wait3A_285 = arith.constant 0 : i32
      %dma_wait3A_286 = tpu.memref_slice %arg7[%mul3A_280, %dma_wait3A_285] : memref<20480x16xf32, #tpu.memory_space<hbm>> -> memref<640x16xf32, #tpu.memory_space<hbm>>
      %dma_wait3A_287 = arith.constant 0 : i32
      %dma_wait3A_288 = tpu.memref_slice %arg13[%mul3A_275, %dma_wait3A_287] : memref<10240x16xf32, #tpu.memory_space<vmem_shared>> -> memref<640x16xf32, #tpu.memory_space<vmem_shared>>
      tpu.wait_dma2 semaphore(%run_scoped3A : memref<!tpu.dma_semaphore, #tpu.memory_space<semaphore_mem>>) src(%dma_wait3A_288 : memref<640x16xf32, #tpu.memory_space<vmem_shared>>) dst(%dma_wait3A_286 : memref<640x16xf32, #tpu.memory_space<hbm>>)
      tpu.yield
    }) : () -> ()
    return
  }
}

#map = affine_map<(d0, d1) -> (0, 0)>
#map1 = affine_map<(d0, d1) -> (0, 0, 0)>
module attributes {stable_mosaic.version = 14 : i64} {
  func.func @_sc_spmm_body(%arg0: i32, %arg1: i32, %arg2: memref<10240x128xf32, #tpu.memory_space<hbm>>, %arg3: memref<32x179x56xi32, #tpu.memory_space<hbm>>, %arg4: memref<32x179x56xi32, #tpu.memory_space<hbm>>, %arg5: memref<640x128xf32, #tpu.memory_space<hbm>>, %arg6: memref<20480x128xf32, #tpu.memory_space<hbm>>, %arg7: memref<179x56xi32, #tpu.memory_space<vmem>>, %arg8: memref<179x56xi32, #tpu.memory_space<vmem>>, %arg9: memref<4x56x128xf32, #tpu.memory_space<vmem>>, %arg10: memref<10240x128xf32, #tpu.memory_space<vmem_shared>>, %arg11: memref<!tpu.dma_semaphore, #tpu.memory_space<semaphore_mem>>, %arg12: memref<!tpu.dma_semaphore, #tpu.memory_space<semaphore_mem>>) attributes {dimension_semantics = [#tpu.dimension_semantics<core_parallel>, #tpu.dimension_semantics<subcore_parallel>], iteration_bounds = array<i64: 2, 16>, scalar_prefetch = 0 : i64, scratch_operands = 6 : i64, tpu.core_type = #tpu.core_type<sc_vector_subcore>, window_params = [{transform_indices = #map}, {transform_indices = #map1}, {transform_indices = #map1}, {transform_indices = #map}, {transform_indices = #map}]} {
    %mul3A = arith.constant 2 : i32
    %mul3A_0 = arith.muli %arg1, %mul3A : i32
    %add3A = arith.addi %mul3A_0, %arg0 : i32
    %mul3A_1 = arith.constant 640 : i32
    %mul3A_2 = arith.muli %arg1, %mul3A_1 : i32
    "tpu.region"() ({
      %run_scoped3A = tpu.sem_alloc : memref<!tpu.dma_semaphore, #tpu.memory_space<semaphore_mem>>
      %dma_start3A_62 = arith.constant 0 : i32
      %dma_start3A_63 = tpu.memref_slice %arg10[%mul3A_2, %dma_start3A_62] : memref<10240x128xf32, #tpu.memory_space<vmem_shared>> -> memref<640x128xf32, #tpu.memory_space<vmem_shared>>
      tpu.enqueue_dma source(%arg5 : memref<640x128xf32, #tpu.memory_space<hbm>>) target(%dma_start3A_63 : memref<640x128xf32, #tpu.memory_space<vmem_shared>>) target_semaphore(%run_scoped3A : memref<!tpu.dma_semaphore, #tpu.memory_space<semaphore_mem>>)
      %dma_wait3A_64 = arith.constant 0 : i32
      %dma_wait3A_65 = tpu.memref_slice %arg10[%mul3A_2, %dma_wait3A_64] : memref<10240x128xf32, #tpu.memory_space<vmem_shared>> -> memref<640x128xf32, #tpu.memory_space<vmem_shared>>
      tpu.wait_dma2 semaphore(%run_scoped3A : memref<!tpu.dma_semaphore, #tpu.memory_space<semaphore_mem>>) src(%arg5 : memref<640x128xf32, #tpu.memory_space<hbm>>) dst(%dma_wait3A_65 : memref<640x128xf32, #tpu.memory_space<vmem_shared>>)
      tpu.yield
    }) : () -> ()
    %barrier3A = arith.constant 0 : index
    tpu.barrier barrier_id(%barrier3A)
    "tpu.region"() ({
      %run_scoped3A = tpu.sem_alloc : memref<!tpu.dma_semaphore, #tpu.memory_space<semaphore_mem>>
      %dma_start3A_62 = arith.constant 0 : i32
      %dma_start3A_63 = arith.constant 0 : i32
      %dma_start3A_64 = tpu.memref_slice %arg3[%add3A, %dma_start3A_62, %dma_start3A_63] : memref<32x179x56xi32, #tpu.memory_space<hbm>> -> memref<1x179x56xi32, #tpu.memory_space<hbm>>
      %dma_start3A_65 = tpu.memref_squeeze %dma_start3A_64 : memref<1x179x56xi32, #tpu.memory_space<hbm>> -> memref<179x56xi32, #tpu.memory_space<hbm>>
      %dma_start3A_66 = arith.constant 0 : i32
      %dma_start3A_67 = arith.constant 0 : i32
      %dma_start3A_68 = tpu.memref_slice %arg3[%add3A, %dma_start3A_66, %dma_start3A_67] : memref<32x179x56xi32, #tpu.memory_space<hbm>> -> memref<1x179x56xi32, #tpu.memory_space<hbm>>
      %dma_start3A_69 = tpu.memref_squeeze %dma_start3A_68 : memref<1x179x56xi32, #tpu.memory_space<hbm>> -> memref<179x56xi32, #tpu.memory_space<hbm>>
      tpu.enqueue_dma source(%dma_start3A_69 : memref<179x56xi32, #tpu.memory_space<hbm>>) target(%arg7 : memref<179x56xi32, #tpu.memory_space<vmem>>) target_semaphore(%run_scoped3A : memref<!tpu.dma_semaphore, #tpu.memory_space<semaphore_mem>>)
      %dma_wait3A_70 = arith.constant 0 : i32
      %dma_wait3A_71 = arith.constant 0 : i32
      %dma_wait3A_72 = tpu.memref_slice %arg3[%add3A, %dma_wait3A_70, %dma_wait3A_71] : memref<32x179x56xi32, #tpu.memory_space<hbm>> -> memref<1x179x56xi32, #tpu.memory_space<hbm>>
      %dma_wait3A_73 = tpu.memref_squeeze %dma_wait3A_72 : memref<1x179x56xi32, #tpu.memory_space<hbm>> -> memref<179x56xi32, #tpu.memory_space<hbm>>
      %dma_wait3A_74 = arith.constant 0 : i32
      %dma_wait3A_75 = arith.constant 0 : i32
      %dma_wait3A_76 = tpu.memref_slice %arg3[%add3A, %dma_wait3A_74, %dma_wait3A_75] : memref<32x179x56xi32, #tpu.memory_space<hbm>> -> memref<1x179x56xi32, #tpu.memory_space<hbm>>
      %dma_wait3A_77 = tpu.memref_squeeze %dma_wait3A_76 : memref<1x179x56xi32, #tpu.memory_space<hbm>> -> memref<179x56xi32, #tpu.memory_space<hbm>>
      tpu.wait_dma2 semaphore(%run_scoped3A : memref<!tpu.dma_semaphore, #tpu.memory_space<semaphore_mem>>) src(%dma_wait3A_77 : memref<179x56xi32, #tpu.memory_space<hbm>>) dst(%arg7 : memref<179x56xi32, #tpu.memory_space<vmem>>)
      tpu.yield
    }) : () -> ()
    "tpu.region"() ({
      %run_scoped3A = tpu.sem_alloc : memref<!tpu.dma_semaphore, #tpu.memory_space<semaphore_mem>>
      %dma_start3A_62 = arith.constant 0 : i32
      %dma_start3A_63 = arith.constant 0 : i32
      %dma_start3A_64 = tpu.memref_slice %arg4[%add3A, %dma_start3A_62, %dma_start3A_63] : memref<32x179x56xi32, #tpu.memory_space<hbm>> -> memref<1x179x56xi32, #tpu.memory_space<hbm>>
      %dma_start3A_65 = tpu.memref_squeeze %dma_start3A_64 : memref<1x179x56xi32, #tpu.memory_space<hbm>> -> memref<179x56xi32, #tpu.memory_space<hbm>>
      %dma_start3A_66 = arith.constant 0 : i32
      %dma_start3A_67 = arith.constant 0 : i32
      %dma_start3A_68 = tpu.memref_slice %arg4[%add3A, %dma_start3A_66, %dma_start3A_67] : memref<32x179x56xi32, #tpu.memory_space<hbm>> -> memref<1x179x56xi32, #tpu.memory_space<hbm>>
      %dma_start3A_69 = tpu.memref_squeeze %dma_start3A_68 : memref<1x179x56xi32, #tpu.memory_space<hbm>> -> memref<179x56xi32, #tpu.memory_space<hbm>>
      tpu.enqueue_dma source(%dma_start3A_69 : memref<179x56xi32, #tpu.memory_space<hbm>>) target(%arg8 : memref<179x56xi32, #tpu.memory_space<vmem>>) target_semaphore(%run_scoped3A : memref<!tpu.dma_semaphore, #tpu.memory_space<semaphore_mem>>)
      %dma_wait3A_70 = arith.constant 0 : i32
      %dma_wait3A_71 = arith.constant 0 : i32
      %dma_wait3A_72 = tpu.memref_slice %arg4[%add3A, %dma_wait3A_70, %dma_wait3A_71] : memref<32x179x56xi32, #tpu.memory_space<hbm>> -> memref<1x179x56xi32, #tpu.memory_space<hbm>>
      %dma_wait3A_73 = tpu.memref_squeeze %dma_wait3A_72 : memref<1x179x56xi32, #tpu.memory_space<hbm>> -> memref<179x56xi32, #tpu.memory_space<hbm>>
      %dma_wait3A_74 = arith.constant 0 : i32
      %dma_wait3A_75 = arith.constant 0 : i32
      %dma_wait3A_76 = tpu.memref_slice %arg4[%add3A, %dma_wait3A_74, %dma_wait3A_75] : memref<32x179x56xi32, #tpu.memory_space<hbm>> -> memref<1x179x56xi32, #tpu.memory_space<hbm>>
      %dma_wait3A_77 = tpu.memref_squeeze %dma_wait3A_76 : memref<1x179x56xi32, #tpu.memory_space<hbm>> -> memref<179x56xi32, #tpu.memory_space<hbm>>
      tpu.wait_dma2 semaphore(%run_scoped3A : memref<!tpu.dma_semaphore, #tpu.memory_space<semaphore_mem>>) src(%dma_wait3A_77 : memref<179x56xi32, #tpu.memory_space<hbm>>) dst(%arg8 : memref<179x56xi32, #tpu.memory_space<vmem>>)
      tpu.yield
    }) : () -> ()
    %dma_start3A = arith.constant 0 : i32
    %dma_start3A_3 = arith.constant 0 : i32
    %dma_start3A_4 = arith.constant 0 : i32
    %dma_start3A_5 = arith.constant 0 : i32
    %dma_start3A_6 = tpu.memref_slice %arg9[%dma_start3A_3, %dma_start3A_4, %dma_start3A_5] : memref<4x56x128xf32, #tpu.memory_space<vmem>> -> memref<1x56x128xf32, #tpu.memory_space<vmem>>
    %dma_start3A_7 = tpu.memref_squeeze %dma_start3A_6 : memref<1x56x128xf32, #tpu.memory_space<vmem>> -> memref<56x128xf32, #tpu.memory_space<vmem>>
    %dma_start3A_8 = arith.constant 0 : i32
    %dma_start3A_9 = tpu.memref_slice %arg7[%dma_start3A, %dma_start3A_8] : memref<179x56xi32, #tpu.memory_space<vmem>> -> memref<1x56xi32, #tpu.memory_space<vmem>>
    %dma_start3A_10 = tpu.memref_squeeze %dma_start3A_9 : memref<1x56xi32, #tpu.memory_space<vmem>> -> memref<56xi32, #tpu.memory_space<vmem>>
    %dma_start3A_11 = arith.constant 0 : i32
    %dma_start3A_12 = arith.constant 0 : i32
    %dma_start3A_13 = tpu.memref_slice %arg2[%dma_start3A_11, %dma_start3A_12] : memref<10240x128xf32, #tpu.memory_space<hbm>> -> memref<10240x128xf32, #tpu.memory_space<hbm>>
    tpu.enqueue_indirect_dma source(%dma_start3A_13 : memref<10240x128xf32, #tpu.memory_space<hbm>>) target(%dma_start3A_7 : memref<56x128xf32, #tpu.memory_space<vmem>>) offsets(%dma_start3A_10 : memref<56xi32, #tpu.memory_space<vmem>>) semaphore(%arg11 : memref<!tpu.dma_semaphore, #tpu.memory_space<semaphore_mem>>)
    %dma_start3A_14 = arith.constant 1 : i32
    %dma_start3A_15 = arith.constant 1 : i32
    %dma_start3A_16 = arith.constant 0 : i32
    %dma_start3A_17 = arith.constant 0 : i32
    %dma_start3A_18 = tpu.memref_slice %arg9[%dma_start3A_15, %dma_start3A_16, %dma_start3A_17] : memref<4x56x128xf32, #tpu.memory_space<vmem>> -> memref<1x56x128xf32, #tpu.memory_space<vmem>>
    %dma_start3A_19 = tpu.memref_squeeze %dma_start3A_18 : memref<1x56x128xf32, #tpu.memory_space<vmem>> -> memref<56x128xf32, #tpu.memory_space<vmem>>
    %dma_start3A_20 = arith.constant 0 : i32
    %dma_start3A_21 = tpu.memref_slice %arg7[%dma_start3A_14, %dma_start3A_20] : memref<179x56xi32, #tpu.memory_space<vmem>> -> memref<1x56xi32, #tpu.memory_space<vmem>>
    %dma_start3A_22 = tpu.memref_squeeze %dma_start3A_21 : memref<1x56xi32, #tpu.memory_space<vmem>> -> memref<56xi32, #tpu.memory_space<vmem>>
    %dma_start3A_23 = arith.constant 0 : i32
    %dma_start3A_24 = arith.constant 0 : i32
    %dma_start3A_25 = tpu.memref_slice %arg2[%dma_start3A_23, %dma_start3A_24] : memref<10240x128xf32, #tpu.memory_space<hbm>> -> memref<10240x128xf32, #tpu.memory_space<hbm>>
    tpu.enqueue_indirect_dma source(%dma_start3A_25 : memref<10240x128xf32, #tpu.memory_space<hbm>>) target(%dma_start3A_19 : memref<56x128xf32, #tpu.memory_space<vmem>>) offsets(%dma_start3A_22 : memref<56xi32, #tpu.memory_space<vmem>>) semaphore(%arg11 : memref<!tpu.dma_semaphore, #tpu.memory_space<semaphore_mem>>)
    %dma_start3A_26 = arith.constant 2 : i32
    %dma_start3A_27 = arith.constant 2 : i32
    %dma_start3A_28 = arith.constant 0 : i32
    %dma_start3A_29 = arith.constant 0 : i32
    %dma_start3A_30 = tpu.memref_slice %arg9[%dma_start3A_27, %dma_start3A_28, %dma_start3A_29] : memref<4x56x128xf32, #tpu.memory_space<vmem>> -> memref<1x56x128xf32, #tpu.memory_space<vmem>>
    %dma_start3A_31 = tpu.memref_squeeze %dma_start3A_30 : memref<1x56x128xf32, #tpu.memory_space<vmem>> -> memref<56x128xf32, #tpu.memory_space<vmem>>
    %dma_start3A_32 = arith.constant 0 : i32
    %dma_start3A_33 = tpu.memref_slice %arg7[%dma_start3A_26, %dma_start3A_32] : memref<179x56xi32, #tpu.memory_space<vmem>> -> memref<1x56xi32, #tpu.memory_space<vmem>>
    %dma_start3A_34 = tpu.memref_squeeze %dma_start3A_33 : memref<1x56xi32, #tpu.memory_space<vmem>> -> memref<56xi32, #tpu.memory_space<vmem>>
    %dma_start3A_35 = arith.constant 0 : i32
    %dma_start3A_36 = arith.constant 0 : i32
    %dma_start3A_37 = tpu.memref_slice %arg2[%dma_start3A_35, %dma_start3A_36] : memref<10240x128xf32, #tpu.memory_space<hbm>> -> memref<10240x128xf32, #tpu.memory_space<hbm>>
    tpu.enqueue_indirect_dma source(%dma_start3A_37 : memref<10240x128xf32, #tpu.memory_space<hbm>>) target(%dma_start3A_31 : memref<56x128xf32, #tpu.memory_space<vmem>>) offsets(%dma_start3A_34 : memref<56xi32, #tpu.memory_space<vmem>>) semaphore(%arg11 : memref<!tpu.dma_semaphore, #tpu.memory_space<semaphore_mem>>)
    %scan3A = arith.constant 0 : i32
    %scan3A_38 = arith.constant 0 : i32
    %scan3A_39 = arith.constant 179 : i32
    %scan3A_40 = arith.addi %scan3A_38, %scan3A_39 : i32
    %scan3A_41 = arith.constant 1 : i32
    scf.for %scan3A_62 = %scan3A_38 to %scan3A_40 step %scan3A_41  : i32 {
      %ge3A = arith.constant 1 : i32
      %ge3A_63 = arith.cmpi sge, %scan3A_62, %ge3A : i32
      %convert_element_type3A = arith.extui %ge3A_63 : i1 to i32
      %cond3A = arith.constant 0 : i32
      %cond3A_64 = arith.cmpi ne, %convert_element_type3A, %cond3A : i32
      scf.if %cond3A_64 {
        %sub3A_118 = arith.constant 1 : i32
        %sub3A_119 = arith.subi %scan3A_62, %sub3A_118 : i32
        %jit3A_120 = arith.constant 4 : i32
        %eq3A_121 = arith.constant 0 : i32
        %eq3A_122 = arith.cmpi eq, %jit3A_120, %eq3A_121 : i32
        %jit3A_123 = arith.constant 1 : i32
        %select_n3A_124 = arith.select %eq3A_122, %jit3A_123, %jit3A_120 : i32
        %rem3A_125 = arith.remsi %sub3A_119, %select_n3A_124 : i32
        %ne3A_126 = arith.constant 0 : i32
        %ne3A_127 = arith.cmpi ne, %rem3A_125, %ne3A_126 : i32
        %lt3A_128 = arith.constant 0 : i32
        %lt3A_129 = arith.cmpi slt, %rem3A_125, %lt3A_128 : i32
        %lt3A_130 = arith.constant 0 : i32
        %lt3A_131 = arith.cmpi slt, %select_n3A_124, %lt3A_130 : i32
        %ne3A_132 = arith.xori %lt3A_129, %lt3A_131 : i1
        %and3A_133 = arith.andi %ne3A_132, %ne3A_127 : i1
        %add3A_134 = arith.addi %rem3A_125, %select_n3A_124 : i32
        %select_n3A_135 = arith.select %and3A_133, %add3A_134, %rem3A_125 : i32
        %sub3A_136 = arith.constant 1 : i32
        %sub3A_137 = arith.subi %scan3A_62, %sub3A_136 : i32
        %dma_wait3A_138 = arith.constant 0 : i32
        %dma_wait3A_139 = arith.constant 0 : i32
        %dma_wait3A_140 = tpu.memref_slice %arg9[%select_n3A_135, %dma_wait3A_138, %dma_wait3A_139] : memref<4x56x128xf32, #tpu.memory_space<vmem>> -> memref<1x56x128xf32, #tpu.memory_space<vmem>>
        %dma_wait3A_141 = tpu.memref_squeeze %dma_wait3A_140 : memref<1x56x128xf32, #tpu.memory_space<vmem>> -> memref<56x128xf32, #tpu.memory_space<vmem>>
        %dma_wait3A_142 = arith.constant 0 : i32
        %dma_wait3A_143 = tpu.memref_slice %arg8[%sub3A_137, %dma_wait3A_142] : memref<179x56xi32, #tpu.memory_space<vmem>> -> memref<1x56xi32, #tpu.memory_space<vmem>>
        %dma_wait3A_144 = tpu.memref_squeeze %dma_wait3A_143 : memref<1x56xi32, #tpu.memory_space<vmem>> -> memref<56xi32, #tpu.memory_space<vmem>>
        %dma_wait3A_145 = arith.constant 0 : i32
        %dma_wait3A_146 = arith.constant 0 : i32
        %dma_wait3A_147 = tpu.memref_slice %arg10[%dma_wait3A_145, %dma_wait3A_146] : memref<10240x128xf32, #tpu.memory_space<vmem_shared>> -> memref<10240x128xf32, #tpu.memory_space<vmem_shared>>
        tpu.wait_indirect_dma semaphore(%arg12 : memref<!tpu.dma_semaphore, #tpu.memory_space<semaphore_mem>>) src(%dma_wait3A_141 : memref<56x128xf32, #tpu.memory_space<vmem>>) dst(%dma_wait3A_147 : memref<10240x128xf32, #tpu.memory_space<vmem_shared>>)
      } else {
      }
      %add3A_65 = arith.constant 4 : i32
      %add3A_66 = arith.addi %scan3A_62, %add3A_65 : i32
      %sub3A = arith.constant 1 : i32
      %sub3A_67 = arith.subi %add3A_66, %sub3A : i32
      %lt3A = arith.constant 179 : i32
      %lt3A_68 = arith.cmpi slt, %sub3A_67, %lt3A : i32
      %convert_element_type3A_69 = arith.extui %lt3A_68 : i1 to i32
      %cond3A_70 = arith.constant 0 : i32
      %cond3A_71 = arith.cmpi ne, %convert_element_type3A_69, %cond3A_70 : i32
      scf.if %cond3A_71 {
        %jit3A_118 = arith.constant 4 : i32
        %eq3A_119 = arith.constant 0 : i32
        %eq3A_120 = arith.cmpi eq, %jit3A_118, %eq3A_119 : i32
        %jit3A_121 = arith.constant 1 : i32
        %select_n3A_122 = arith.select %eq3A_120, %jit3A_121, %jit3A_118 : i32
        %rem3A_123 = arith.remsi %sub3A_67, %select_n3A_122 : i32
        %ne3A_124 = arith.constant 0 : i32
        %ne3A_125 = arith.cmpi ne, %rem3A_123, %ne3A_124 : i32
        %lt3A_126 = arith.constant 0 : i32
        %lt3A_127 = arith.cmpi slt, %rem3A_123, %lt3A_126 : i32
        %lt3A_128 = arith.constant 0 : i32
        %lt3A_129 = arith.cmpi slt, %select_n3A_122, %lt3A_128 : i32
        %ne3A_130 = arith.xori %lt3A_127, %lt3A_129 : i1
        %and3A_131 = arith.andi %ne3A_130, %ne3A_125 : i1
        %add3A_132 = arith.addi %rem3A_123, %select_n3A_122 : i32
        %select_n3A_133 = arith.select %and3A_131, %add3A_132, %rem3A_123 : i32
        %dma_start3A_134 = arith.constant 0 : i32
        %dma_start3A_135 = arith.constant 0 : i32
        %dma_start3A_136 = tpu.memref_slice %arg9[%select_n3A_133, %dma_start3A_134, %dma_start3A_135] : memref<4x56x128xf32, #tpu.memory_space<vmem>> -> memref<1x56x128xf32, #tpu.memory_space<vmem>>
        %dma_start3A_137 = tpu.memref_squeeze %dma_start3A_136 : memref<1x56x128xf32, #tpu.memory_space<vmem>> -> memref<56x128xf32, #tpu.memory_space<vmem>>
        %dma_start3A_138 = arith.constant 0 : i32
        %dma_start3A_139 = tpu.memref_slice %arg7[%sub3A_67, %dma_start3A_138] : memref<179x56xi32, #tpu.memory_space<vmem>> -> memref<1x56xi32, #tpu.memory_space<vmem>>
        %dma_start3A_140 = tpu.memref_squeeze %dma_start3A_139 : memref<1x56xi32, #tpu.memory_space<vmem>> -> memref<56xi32, #tpu.memory_space<vmem>>
        %dma_start3A_141 = arith.constant 0 : i32
        %dma_start3A_142 = arith.constant 0 : i32
        %dma_start3A_143 = tpu.memref_slice %arg2[%dma_start3A_141, %dma_start3A_142] : memref<10240x128xf32, #tpu.memory_space<hbm>> -> memref<10240x128xf32, #tpu.memory_space<hbm>>
        tpu.enqueue_indirect_dma source(%dma_start3A_143 : memref<10240x128xf32, #tpu.memory_space<hbm>>) target(%dma_start3A_137 : memref<56x128xf32, #tpu.memory_space<vmem>>) offsets(%dma_start3A_140 : memref<56xi32, #tpu.memory_space<vmem>>) semaphore(%arg11 : memref<!tpu.dma_semaphore, #tpu.memory_space<semaphore_mem>>)
      } else {
      }
      %jit3A = arith.constant 4 : i32
      %eq3A = arith.constant 0 : i32
      %eq3A_72 = arith.cmpi eq, %jit3A, %eq3A : i32
      %jit3A_73 = arith.constant 1 : i32
      %select_n3A = arith.select %eq3A_72, %jit3A_73, %jit3A : i32
      %rem3A = arith.remsi %scan3A_62, %select_n3A : i32
      %ne3A = arith.constant 0 : i32
      %ne3A_74 = arith.cmpi ne, %rem3A, %ne3A : i32
      %lt3A_75 = arith.constant 0 : i32
      %lt3A_76 = arith.cmpi slt, %rem3A, %lt3A_75 : i32
      %lt3A_77 = arith.constant 0 : i32
      %lt3A_78 = arith.cmpi slt, %select_n3A, %lt3A_77 : i32
      %ne3A_79 = arith.xori %lt3A_76, %lt3A_78 : i1
      %and3A = arith.andi %ne3A_79, %ne3A_74 : i1
      %add3A_80 = arith.addi %rem3A, %select_n3A : i32
      %select_n3A_81 = arith.select %and3A, %add3A_80, %rem3A : i32
      %dma_wait3A_82 = arith.constant 0 : i32
      %dma_wait3A_83 = arith.constant 0 : i32
      %dma_wait3A_84 = tpu.memref_slice %arg9[%select_n3A_81, %dma_wait3A_82, %dma_wait3A_83] : memref<4x56x128xf32, #tpu.memory_space<vmem>> -> memref<1x56x128xf32, #tpu.memory_space<vmem>>
      %dma_wait3A_85 = tpu.memref_squeeze %dma_wait3A_84 : memref<1x56x128xf32, #tpu.memory_space<vmem>> -> memref<56x128xf32, #tpu.memory_space<vmem>>
      %dma_wait3A_86 = arith.constant 0 : i32
      %dma_wait3A_87 = tpu.memref_slice %arg7[%scan3A_62, %dma_wait3A_86] : memref<179x56xi32, #tpu.memory_space<vmem>> -> memref<1x56xi32, #tpu.memory_space<vmem>>
      %dma_wait3A_88 = tpu.memref_squeeze %dma_wait3A_87 : memref<1x56xi32, #tpu.memory_space<vmem>> -> memref<56xi32, #tpu.memory_space<vmem>>
      %dma_wait3A_89 = arith.constant 0 : i32
      %dma_wait3A_90 = arith.constant 0 : i32
      %dma_wait3A_91 = tpu.memref_slice %arg2[%dma_wait3A_89, %dma_wait3A_90] : memref<10240x128xf32, #tpu.memory_space<hbm>> -> memref<10240x128xf32, #tpu.memory_space<hbm>>
      tpu.wait_indirect_dma semaphore(%arg11 : memref<!tpu.dma_semaphore, #tpu.memory_space<semaphore_mem>>) src(%dma_wait3A_91 : memref<10240x128xf32, #tpu.memory_space<hbm>>) dst(%dma_wait3A_85 : memref<56x128xf32, #tpu.memory_space<vmem>>)
      %jit3A_92 = arith.constant 4 : i32
      %eq3A_93 = arith.constant 0 : i32
      %eq3A_94 = arith.cmpi eq, %jit3A_92, %eq3A_93 : i32
      %jit3A_95 = arith.constant 1 : i32
      %select_n3A_96 = arith.select %eq3A_94, %jit3A_95, %jit3A_92 : i32
      %rem3A_97 = arith.remsi %scan3A_62, %select_n3A_96 : i32
      %ne3A_98 = arith.constant 0 : i32
      %ne3A_99 = arith.cmpi ne, %rem3A_97, %ne3A_98 : i32
      %lt3A_100 = arith.constant 0 : i32
      %lt3A_101 = arith.cmpi slt, %rem3A_97, %lt3A_100 : i32
      %lt3A_102 = arith.constant 0 : i32
      %lt3A_103 = arith.cmpi slt, %select_n3A_96, %lt3A_102 : i32
      %ne3A_104 = arith.xori %lt3A_101, %lt3A_103 : i1
      %and3A_105 = arith.andi %ne3A_104, %ne3A_99 : i1
      %add3A_106 = arith.addi %rem3A_97, %select_n3A_96 : i32
      %select_n3A_107 = arith.select %and3A_105, %add3A_106, %rem3A_97 : i32
      %dma_start3A_108 = arith.constant 0 : i32
      %dma_start3A_109 = arith.constant 0 : i32
      %dma_start3A_110 = tpu.memref_slice %arg9[%select_n3A_107, %dma_start3A_108, %dma_start3A_109] : memref<4x56x128xf32, #tpu.memory_space<vmem>> -> memref<1x56x128xf32, #tpu.memory_space<vmem>>
      %dma_start3A_111 = tpu.memref_squeeze %dma_start3A_110 : memref<1x56x128xf32, #tpu.memory_space<vmem>> -> memref<56x128xf32, #tpu.memory_space<vmem>>
      %dma_start3A_112 = arith.constant 0 : i32
      %dma_start3A_113 = tpu.memref_slice %arg8[%scan3A_62, %dma_start3A_112] : memref<179x56xi32, #tpu.memory_space<vmem>> -> memref<1x56xi32, #tpu.memory_space<vmem>>
      %dma_start3A_114 = tpu.memref_squeeze %dma_start3A_113 : memref<1x56xi32, #tpu.memory_space<vmem>> -> memref<56xi32, #tpu.memory_space<vmem>>
      %dma_start3A_115 = arith.constant 0 : i32
      %dma_start3A_116 = arith.constant 0 : i32
      %dma_start3A_117 = tpu.memref_slice %arg10[%dma_start3A_115, %dma_start3A_116] : memref<10240x128xf32, #tpu.memory_space<vmem_shared>> -> memref<10240x128xf32, #tpu.memory_space<vmem_shared>>
      tpu.enqueue_indirect_dma source(%dma_start3A_111 : memref<56x128xf32, #tpu.memory_space<vmem>>) target(%dma_start3A_117 : memref<10240x128xf32, #tpu.memory_space<vmem_shared>>) offsets(%dma_start3A_114 : memref<56xi32, #tpu.memory_space<vmem>>) semaphore(%arg12 : memref<!tpu.dma_semaphore, #tpu.memory_space<semaphore_mem>>) {add = true}
    }
    %scan3A_42 = arith.constant 179 : i32
    %dma_wait3A = arith.constant 2 : i32
    %dma_wait3A_43 = arith.constant 178 : i32
    %dma_wait3A_44 = arith.constant 0 : i32
    %dma_wait3A_45 = arith.constant 0 : i32
    %dma_wait3A_46 = tpu.memref_slice %arg9[%dma_wait3A, %dma_wait3A_44, %dma_wait3A_45] : memref<4x56x128xf32, #tpu.memory_space<vmem>> -> memref<1x56x128xf32, #tpu.memory_space<vmem>>
    %dma_wait3A_47 = tpu.memref_squeeze %dma_wait3A_46 : memref<1x56x128xf32, #tpu.memory_space<vmem>> -> memref<56x128xf32, #tpu.memory_space<vmem>>
    %dma_wait3A_48 = arith.constant 0 : i32
    %dma_wait3A_49 = tpu.memref_slice %arg8[%dma_wait3A_43, %dma_wait3A_48] : memref<179x56xi32, #tpu.memory_space<vmem>> -> memref<1x56xi32, #tpu.memory_space<vmem>>
    %dma_wait3A_50 = tpu.memref_squeeze %dma_wait3A_49 : memref<1x56xi32, #tpu.memory_space<vmem>> -> memref<56xi32, #tpu.memory_space<vmem>>
    %dma_wait3A_51 = arith.constant 0 : i32
    %dma_wait3A_52 = arith.constant 0 : i32
    %dma_wait3A_53 = tpu.memref_slice %arg10[%dma_wait3A_51, %dma_wait3A_52] : memref<10240x128xf32, #tpu.memory_space<vmem_shared>> -> memref<10240x128xf32, #tpu.memory_space<vmem_shared>>
    tpu.wait_indirect_dma semaphore(%arg12 : memref<!tpu.dma_semaphore, #tpu.memory_space<semaphore_mem>>) src(%dma_wait3A_47 : memref<56x128xf32, #tpu.memory_space<vmem>>) dst(%dma_wait3A_53 : memref<10240x128xf32, #tpu.memory_space<vmem_shared>>)
    %barrier3A_54 = arith.constant 0 : index
    tpu.barrier barrier_id(%barrier3A_54)
    %mul3A_55 = arith.constant 640 : i32
    %mul3A_56 = arith.muli %arg1, %mul3A_55 : i32
    %mul3A_57 = arith.constant 16 : i32
    %mul3A_58 = arith.muli %arg0, %mul3A_57 : i32
    %add3A_59 = arith.addi %mul3A_58, %arg1 : i32
    %mul3A_60 = arith.constant 640 : i32
    %mul3A_61 = arith.muli %add3A_59, %mul3A_60 : i32
    "tpu.region"() ({
      %run_scoped3A = tpu.sem_alloc : memref<!tpu.dma_semaphore, #tpu.memory_space<semaphore_mem>>
      %dma_start3A_62 = arith.constant 0 : i32
      %dma_start3A_63 = tpu.memref_slice %arg6[%mul3A_61, %dma_start3A_62] : memref<20480x128xf32, #tpu.memory_space<hbm>> -> memref<640x128xf32, #tpu.memory_space<hbm>>
      %dma_start3A_64 = arith.constant 0 : i32
      %dma_start3A_65 = tpu.memref_slice %arg10[%mul3A_56, %dma_start3A_64] : memref<10240x128xf32, #tpu.memory_space<vmem_shared>> -> memref<640x128xf32, #tpu.memory_space<vmem_shared>>
      tpu.enqueue_dma source(%dma_start3A_65 : memref<640x128xf32, #tpu.memory_space<vmem_shared>>) target(%dma_start3A_63 : memref<640x128xf32, #tpu.memory_space<hbm>>) target_semaphore(%run_scoped3A : memref<!tpu.dma_semaphore, #tpu.memory_space<semaphore_mem>>)
      %dma_wait3A_66 = arith.constant 0 : i32
      %dma_wait3A_67 = tpu.memref_slice %arg6[%mul3A_61, %dma_wait3A_66] : memref<20480x128xf32, #tpu.memory_space<hbm>> -> memref<640x128xf32, #tpu.memory_space<hbm>>
      %dma_wait3A_68 = arith.constant 0 : i32
      %dma_wait3A_69 = tpu.memref_slice %arg10[%mul3A_56, %dma_wait3A_68] : memref<10240x128xf32, #tpu.memory_space<vmem_shared>> -> memref<640x128xf32, #tpu.memory_space<vmem_shared>>
      tpu.wait_dma2 semaphore(%run_scoped3A : memref<!tpu.dma_semaphore, #tpu.memory_space<semaphore_mem>>) src(%dma_wait3A_69 : memref<640x128xf32, #tpu.memory_space<vmem_shared>>) dst(%dma_wait3A_67 : memref<640x128xf32, #tpu.memory_space<hbm>>)
      tpu.yield
    }) : () -> ()
    return
  }
}

#map = affine_map<(d0, d1) -> (0, 0)>
#map1 = affine_map<(d0, d1) -> (0, 0, 0)>
module attributes {stable_mosaic.version = 14 : i64} {
  func.func @_sc_spmm_body(%arg0: i32, %arg1: i32, %arg2: memref<10240x128xf32, #tpu.memory_space<hbm>>, %arg3: memref<32x179x56xi32, #tpu.memory_space<hbm>>, %arg4: memref<32x179x56xi32, #tpu.memory_space<hbm>>, %arg5: memref<640x128xf32, #tpu.memory_space<hbm>>, %arg6: memref<20480x128xf32, #tpu.memory_space<hbm>>, %arg7: memref<179x56xi32, #tpu.memory_space<vmem>>, %arg8: memref<179x56xi32, #tpu.memory_space<vmem>>, %arg9: memref<4x56x128xf32, #tpu.memory_space<vmem>>, %arg10: memref<10240x128xf32, #tpu.memory_space<vmem_shared>>, %arg11: memref<!tpu.dma_semaphore, #tpu.memory_space<semaphore_mem>>, %arg12: memref<!tpu.dma_semaphore, #tpu.memory_space<semaphore_mem>>) attributes {dimension_semantics = [#tpu.dimension_semantics<core_parallel>, #tpu.dimension_semantics<subcore_parallel>], iteration_bounds = array<i64: 2, 16>, scalar_prefetch = 0 : i64, scratch_operands = 6 : i64, tpu.core_type = #tpu.core_type<sc_vector_subcore>, window_params = [{transform_indices = #map}, {transform_indices = #map1}, {transform_indices = #map1}, {transform_indices = #map}, {transform_indices = #map}]} {
    %mul3A = arith.constant 2 : i32
    %mul3A_0 = arith.muli %arg1, %mul3A : i32
    %add3A = arith.addi %mul3A_0, %arg0 : i32
    %mul3A_1 = arith.constant 640 : i32
    %mul3A_2 = arith.muli %arg1, %mul3A_1 : i32
    "tpu.region"() ({
      %run_scoped3A = tpu.sem_alloc : memref<!tpu.dma_semaphore, #tpu.memory_space<semaphore_mem>>
      %dma_start3A_62 = arith.constant 0 : i32
      %dma_start3A_63 = tpu.memref_slice %arg10[%mul3A_2, %dma_start3A_62] : memref<10240x128xf32, #tpu.memory_space<vmem_shared>> -> memref<640x128xf32, #tpu.memory_space<vmem_shared>>
      tpu.enqueue_dma source(%arg5 : memref<640x128xf32, #tpu.memory_space<hbm>>) target(%dma_start3A_63 : memref<640x128xf32, #tpu.memory_space<vmem_shared>>) target_semaphore(%run_scoped3A : memref<!tpu.dma_semaphore, #tpu.memory_space<semaphore_mem>>)
      %dma_wait3A_64 = arith.constant 0 : i32
      %dma_wait3A_65 = tpu.memref_slice %arg10[%mul3A_2, %dma_wait3A_64] : memref<10240x128xf32, #tpu.memory_space<vmem_shared>> -> memref<640x128xf32, #tpu.memory_space<vmem_shared>>
      tpu.wait_dma2 semaphore(%run_scoped3A : memref<!tpu.dma_semaphore, #tpu.memory_space<semaphore_mem>>) src(%arg5 : memref<640x128xf32, #tpu.memory_space<hbm>>) dst(%dma_wait3A_65 : memref<640x128xf32, #tpu.memory_space<vmem_shared>>)
      tpu.yield
    }) : () -> ()
    %barrier3A = arith.constant 0 : index
    tpu.barrier barrier_id(%barrier3A)
    "tpu.region"() ({
      %run_scoped3A = tpu.sem_alloc : memref<!tpu.dma_semaphore, #tpu.memory_space<semaphore_mem>>
      %dma_start3A_62 = arith.constant 0 : i32
      %dma_start3A_63 = arith.constant 0 : i32
      %dma_start3A_64 = tpu.memref_slice %arg3[%add3A, %dma_start3A_62, %dma_start3A_63] : memref<32x179x56xi32, #tpu.memory_space<hbm>> -> memref<1x179x56xi32, #tpu.memory_space<hbm>>
      %dma_start3A_65 = tpu.memref_squeeze %dma_start3A_64 : memref<1x179x56xi32, #tpu.memory_space<hbm>> -> memref<179x56xi32, #tpu.memory_space<hbm>>
      %dma_start3A_66 = arith.constant 0 : i32
      %dma_start3A_67 = arith.constant 0 : i32
      %dma_start3A_68 = tpu.memref_slice %arg3[%add3A, %dma_start3A_66, %dma_start3A_67] : memref<32x179x56xi32, #tpu.memory_space<hbm>> -> memref<1x179x56xi32, #tpu.memory_space<hbm>>
      %dma_start3A_69 = tpu.memref_squeeze %dma_start3A_68 : memref<1x179x56xi32, #tpu.memory_space<hbm>> -> memref<179x56xi32, #tpu.memory_space<hbm>>
      tpu.enqueue_dma source(%dma_start3A_69 : memref<179x56xi32, #tpu.memory_space<hbm>>) target(%arg7 : memref<179x56xi32, #tpu.memory_space<vmem>>) target_semaphore(%run_scoped3A : memref<!tpu.dma_semaphore, #tpu.memory_space<semaphore_mem>>)
      %dma_wait3A_70 = arith.constant 0 : i32
      %dma_wait3A_71 = arith.constant 0 : i32
      %dma_wait3A_72 = tpu.memref_slice %arg3[%add3A, %dma_wait3A_70, %dma_wait3A_71] : memref<32x179x56xi32, #tpu.memory_space<hbm>> -> memref<1x179x56xi32, #tpu.memory_space<hbm>>
      %dma_wait3A_73 = tpu.memref_squeeze %dma_wait3A_72 : memref<1x179x56xi32, #tpu.memory_space<hbm>> -> memref<179x56xi32, #tpu.memory_space<hbm>>
      %dma_wait3A_74 = arith.constant 0 : i32
      %dma_wait3A_75 = arith.constant 0 : i32
      %dma_wait3A_76 = tpu.memref_slice %arg3[%add3A, %dma_wait3A_74, %dma_wait3A_75] : memref<32x179x56xi32, #tpu.memory_space<hbm>> -> memref<1x179x56xi32, #tpu.memory_space<hbm>>
      %dma_wait3A_77 = tpu.memref_squeeze %dma_wait3A_76 : memref<1x179x56xi32, #tpu.memory_space<hbm>> -> memref<179x56xi32, #tpu.memory_space<hbm>>
      tpu.wait_dma2 semaphore(%run_scoped3A : memref<!tpu.dma_semaphore, #tpu.memory_space<semaphore_mem>>) src(%dma_wait3A_77 : memref<179x56xi32, #tpu.memory_space<hbm>>) dst(%arg7 : memref<179x56xi32, #tpu.memory_space<vmem>>)
      tpu.yield
    }) : () -> ()
    "tpu.region"() ({
      %run_scoped3A = tpu.sem_alloc : memref<!tpu.dma_semaphore, #tpu.memory_space<semaphore_mem>>
      %dma_start3A_62 = arith.constant 0 : i32
      %dma_start3A_63 = arith.constant 0 : i32
      %dma_start3A_64 = tpu.memref_slice %arg4[%add3A, %dma_start3A_62, %dma_start3A_63] : memref<32x179x56xi32, #tpu.memory_space<hbm>> -> memref<1x179x56xi32, #tpu.memory_space<hbm>>
      %dma_start3A_65 = tpu.memref_squeeze %dma_start3A_64 : memref<1x179x56xi32, #tpu.memory_space<hbm>> -> memref<179x56xi32, #tpu.memory_space<hbm>>
      %dma_start3A_66 = arith.constant 0 : i32
      %dma_start3A_67 = arith.constant 0 : i32
      %dma_start3A_68 = tpu.memref_slice %arg4[%add3A, %dma_start3A_66, %dma_start3A_67] : memref<32x179x56xi32, #tpu.memory_space<hbm>> -> memref<1x179x56xi32, #tpu.memory_space<hbm>>
      %dma_start3A_69 = tpu.memref_squeeze %dma_start3A_68 : memref<1x179x56xi32, #tpu.memory_space<hbm>> -> memref<179x56xi32, #tpu.memory_space<hbm>>
      tpu.enqueue_dma source(%dma_start3A_69 : memref<179x56xi32, #tpu.memory_space<hbm>>) target(%arg8 : memref<179x56xi32, #tpu.memory_space<vmem>>) target_semaphore(%run_scoped3A : memref<!tpu.dma_semaphore, #tpu.memory_space<semaphore_mem>>)
      %dma_wait3A_70 = arith.constant 0 : i32
      %dma_wait3A_71 = arith.constant 0 : i32
      %dma_wait3A_72 = tpu.memref_slice %arg4[%add3A, %dma_wait3A_70, %dma_wait3A_71] : memref<32x179x56xi32, #tpu.memory_space<hbm>> -> memref<1x179x56xi32, #tpu.memory_space<hbm>>
      %dma_wait3A_73 = tpu.memref_squeeze %dma_wait3A_72 : memref<1x179x56xi32, #tpu.memory_space<hbm>> -> memref<179x56xi32, #tpu.memory_space<hbm>>
      %dma_wait3A_74 = arith.constant 0 : i32
      %dma_wait3A_75 = arith.constant 0 : i32
      %dma_wait3A_76 = tpu.memref_slice %arg4[%add3A, %dma_wait3A_74, %dma_wait3A_75] : memref<32x179x56xi32, #tpu.memory_space<hbm>> -> memref<1x179x56xi32, #tpu.memory_space<hbm>>
      %dma_wait3A_77 = tpu.memref_squeeze %dma_wait3A_76 : memref<1x179x56xi32, #tpu.memory_space<hbm>> -> memref<179x56xi32, #tpu.memory_space<hbm>>
      tpu.wait_dma2 semaphore(%run_scoped3A : memref<!tpu.dma_semaphore, #tpu.memory_space<semaphore_mem>>) src(%dma_wait3A_77 : memref<179x56xi32, #tpu.memory_space<hbm>>) dst(%arg8 : memref<179x56xi32, #tpu.memory_space<vmem>>)
      tpu.yield
    }) : () -> ()
    %dma_start3A = arith.constant 0 : i32
    %dma_start3A_3 = arith.constant 0 : i32
    %dma_start3A_4 = arith.constant 0 : i32
    %dma_start3A_5 = arith.constant 0 : i32
    %dma_start3A_6 = tpu.memref_slice %arg9[%dma_start3A_3, %dma_start3A_4, %dma_start3A_5] : memref<4x56x128xf32, #tpu.memory_space<vmem>> -> memref<1x56x128xf32, #tpu.memory_space<vmem>>
    %dma_start3A_7 = tpu.memref_squeeze %dma_start3A_6 : memref<1x56x128xf32, #tpu.memory_space<vmem>> -> memref<56x128xf32, #tpu.memory_space<vmem>>
    %dma_start3A_8 = arith.constant 0 : i32
    %dma_start3A_9 = tpu.memref_slice %arg7[%dma_start3A, %dma_start3A_8] : memref<179x56xi32, #tpu.memory_space<vmem>> -> memref<1x56xi32, #tpu.memory_space<vmem>>
    %dma_start3A_10 = tpu.memref_squeeze %dma_start3A_9 : memref<1x56xi32, #tpu.memory_space<vmem>> -> memref<56xi32, #tpu.memory_space<vmem>>
    %dma_start3A_11 = arith.constant 0 : i32
    %dma_start3A_12 = arith.constant 0 : i32
    %dma_start3A_13 = tpu.memref_slice %arg2[%dma_start3A_11, %dma_start3A_12] : memref<10240x128xf32, #tpu.memory_space<hbm>> -> memref<10240x128xf32, #tpu.memory_space<hbm>>
    tpu.enqueue_indirect_dma source(%dma_start3A_13 : memref<10240x128xf32, #tpu.memory_space<hbm>>) target(%dma_start3A_7 : memref<56x128xf32, #tpu.memory_space<vmem>>) offsets(%dma_start3A_10 : memref<56xi32, #tpu.memory_space<vmem>>) semaphore(%arg11 : memref<!tpu.dma_semaphore, #tpu.memory_space<semaphore_mem>>)
    %dma_start3A_14 = arith.constant 1 : i32
    %dma_start3A_15 = arith.constant 1 : i32
    %dma_start3A_16 = arith.constant 0 : i32
    %dma_start3A_17 = arith.constant 0 : i32
    %dma_start3A_18 = tpu.memref_slice %arg9[%dma_start3A_15, %dma_start3A_16, %dma_start3A_17] : memref<4x56x128xf32, #tpu.memory_space<vmem>> -> memref<1x56x128xf32, #tpu.memory_space<vmem>>
    %dma_start3A_19 = tpu.memref_squeeze %dma_start3A_18 : memref<1x56x128xf32, #tpu.memory_space<vmem>> -> memref<56x128xf32, #tpu.memory_space<vmem>>
    %dma_start3A_20 = arith.constant 0 : i32
    %dma_start3A_21 = tpu.memref_slice %arg7[%dma_start3A_14, %dma_start3A_20] : memref<179x56xi32, #tpu.memory_space<vmem>> -> memref<1x56xi32, #tpu.memory_space<vmem>>
    %dma_start3A_22 = tpu.memref_squeeze %dma_start3A_21 : memref<1x56xi32, #tpu.memory_space<vmem>> -> memref<56xi32, #tpu.memory_space<vmem>>
    %dma_start3A_23 = arith.constant 0 : i32
    %dma_start3A_24 = arith.constant 0 : i32
    %dma_start3A_25 = tpu.memref_slice %arg2[%dma_start3A_23, %dma_start3A_24] : memref<10240x128xf32, #tpu.memory_space<hbm>> -> memref<10240x128xf32, #tpu.memory_space<hbm>>
    tpu.enqueue_indirect_dma source(%dma_start3A_25 : memref<10240x128xf32, #tpu.memory_space<hbm>>) target(%dma_start3A_19 : memref<56x128xf32, #tpu.memory_space<vmem>>) offsets(%dma_start3A_22 : memref<56xi32, #tpu.memory_space<vmem>>) semaphore(%arg11 : memref<!tpu.dma_semaphore, #tpu.memory_space<semaphore_mem>>)
    %dma_start3A_26 = arith.constant 2 : i32
    %dma_start3A_27 = arith.constant 2 : i32
    %dma_start3A_28 = arith.constant 0 : i32
    %dma_start3A_29 = arith.constant 0 : i32
    %dma_start3A_30 = tpu.memref_slice %arg9[%dma_start3A_27, %dma_start3A_28, %dma_start3A_29] : memref<4x56x128xf32, #tpu.memory_space<vmem>> -> memref<1x56x128xf32, #tpu.memory_space<vmem>>
    %dma_start3A_31 = tpu.memref_squeeze %dma_start3A_30 : memref<1x56x128xf32, #tpu.memory_space<vmem>> -> memref<56x128xf32, #tpu.memory_space<vmem>>
    %dma_start3A_32 = arith.constant 0 : i32
    %dma_start3A_33 = tpu.memref_slice %arg7[%dma_start3A_26, %dma_start3A_32] : memref<179x56xi32, #tpu.memory_space<vmem>> -> memref<1x56xi32, #tpu.memory_space<vmem>>
    %dma_start3A_34 = tpu.memref_squeeze %dma_start3A_33 : memref<1x56xi32, #tpu.memory_space<vmem>> -> memref<56xi32, #tpu.memory_space<vmem>>
    %dma_start3A_35 = arith.constant 0 : i32
    %dma_start3A_36 = arith.constant 0 : i32
    %dma_start3A_37 = tpu.memref_slice %arg2[%dma_start3A_35, %dma_start3A_36] : memref<10240x128xf32, #tpu.memory_space<hbm>> -> memref<10240x128xf32, #tpu.memory_space<hbm>>
    tpu.enqueue_indirect_dma source(%dma_start3A_37 : memref<10240x128xf32, #tpu.memory_space<hbm>>) target(%dma_start3A_31 : memref<56x128xf32, #tpu.memory_space<vmem>>) offsets(%dma_start3A_34 : memref<56xi32, #tpu.memory_space<vmem>>) semaphore(%arg11 : memref<!tpu.dma_semaphore, #tpu.memory_space<semaphore_mem>>)
    %scan3A = arith.constant 0 : i32
    %scan3A_38 = arith.constant 0 : i32
    %scan3A_39 = arith.constant 179 : i32
    %scan3A_40 = arith.addi %scan3A_38, %scan3A_39 : i32
    %scan3A_41 = arith.constant 1 : i32
    scf.for %scan3A_62 = %scan3A_38 to %scan3A_40 step %scan3A_41  : i32 {
      %ge3A = arith.constant 1 : i32
      %ge3A_63 = arith.cmpi sge, %scan3A_62, %ge3A : i32
      %convert_element_type3A = arith.extui %ge3A_63 : i1 to i32
      %cond3A = arith.constant 0 : i32
      %cond3A_64 = arith.cmpi ne, %convert_element_type3A, %cond3A : i32
      scf.if %cond3A_64 {
        %sub3A_118 = arith.constant 1 : i32
        %sub3A_119 = arith.subi %scan3A_62, %sub3A_118 : i32
        %jit3A_120 = arith.constant 4 : i32
        %eq3A_121 = arith.constant 0 : i32
        %eq3A_122 = arith.cmpi eq, %jit3A_120, %eq3A_121 : i32
        %jit3A_123 = arith.constant 1 : i32
        %select_n3A_124 = arith.select %eq3A_122, %jit3A_123, %jit3A_120 : i32
        %rem3A_125 = arith.remsi %sub3A_119, %select_n3A_124 : i32
        %ne3A_126 = arith.constant 0 : i32
        %ne3A_127 = arith.cmpi ne, %rem3A_125, %ne3A_126 : i32
        %lt3A_128 = arith.constant 0 : i32
        %lt3A_129 = arith.cmpi slt, %rem3A_125, %lt3A_128 : i32
        %lt3A_130 = arith.constant 0 : i32
        %lt3A_131 = arith.cmpi slt, %select_n3A_124, %lt3A_130 : i32
        %ne3A_132 = arith.xori %lt3A_129, %lt3A_131 : i1
        %and3A_133 = arith.andi %ne3A_132, %ne3A_127 : i1
        %add3A_134 = arith.addi %rem3A_125, %select_n3A_124 : i32
        %select_n3A_135 = arith.select %and3A_133, %add3A_134, %rem3A_125 : i32
        %sub3A_136 = arith.constant 1 : i32
        %sub3A_137 = arith.subi %scan3A_62, %sub3A_136 : i32
        %dma_wait3A_138 = arith.constant 0 : i32
        %dma_wait3A_139 = arith.constant 0 : i32
        %dma_wait3A_140 = tpu.memref_slice %arg9[%select_n3A_135, %dma_wait3A_138, %dma_wait3A_139] : memref<4x56x128xf32, #tpu.memory_space<vmem>> -> memref<1x56x128xf32, #tpu.memory_space<vmem>>
        %dma_wait3A_141 = tpu.memref_squeeze %dma_wait3A_140 : memref<1x56x128xf32, #tpu.memory_space<vmem>> -> memref<56x128xf32, #tpu.memory_space<vmem>>
        %dma_wait3A_142 = arith.constant 0 : i32
        %dma_wait3A_143 = tpu.memref_slice %arg8[%sub3A_137, %dma_wait3A_142] : memref<179x56xi32, #tpu.memory_space<vmem>> -> memref<1x56xi32, #tpu.memory_space<vmem>>
        %dma_wait3A_144 = tpu.memref_squeeze %dma_wait3A_143 : memref<1x56xi32, #tpu.memory_space<vmem>> -> memref<56xi32, #tpu.memory_space<vmem>>
        %dma_wait3A_145 = arith.constant 0 : i32
        %dma_wait3A_146 = arith.constant 0 : i32
        %dma_wait3A_147 = tpu.memref_slice %arg10[%dma_wait3A_145, %dma_wait3A_146] : memref<10240x128xf32, #tpu.memory_space<vmem_shared>> -> memref<10240x128xf32, #tpu.memory_space<vmem_shared>>
        tpu.wait_indirect_dma semaphore(%arg12 : memref<!tpu.dma_semaphore, #tpu.memory_space<semaphore_mem>>) src(%dma_wait3A_141 : memref<56x128xf32, #tpu.memory_space<vmem>>) dst(%dma_wait3A_147 : memref<10240x128xf32, #tpu.memory_space<vmem_shared>>)
      } else {
      }
      %add3A_65 = arith.constant 4 : i32
      %add3A_66 = arith.addi %scan3A_62, %add3A_65 : i32
      %sub3A = arith.constant 1 : i32
      %sub3A_67 = arith.subi %add3A_66, %sub3A : i32
      %lt3A = arith.constant 179 : i32
      %lt3A_68 = arith.cmpi slt, %sub3A_67, %lt3A : i32
      %convert_element_type3A_69 = arith.extui %lt3A_68 : i1 to i32
      %cond3A_70 = arith.constant 0 : i32
      %cond3A_71 = arith.cmpi ne, %convert_element_type3A_69, %cond3A_70 : i32
      scf.if %cond3A_71 {
        %jit3A_118 = arith.constant 4 : i32
        %eq3A_119 = arith.constant 0 : i32
        %eq3A_120 = arith.cmpi eq, %jit3A_118, %eq3A_119 : i32
        %jit3A_121 = arith.constant 1 : i32
        %select_n3A_122 = arith.select %eq3A_120, %jit3A_121, %jit3A_118 : i32
        %rem3A_123 = arith.remsi %sub3A_67, %select_n3A_122 : i32
        %ne3A_124 = arith.constant 0 : i32
        %ne3A_125 = arith.cmpi ne, %rem3A_123, %ne3A_124 : i32
        %lt3A_126 = arith.constant 0 : i32
        %lt3A_127 = arith.cmpi slt, %rem3A_123, %lt3A_126 : i32
        %lt3A_128 = arith.constant 0 : i32
        %lt3A_129 = arith.cmpi slt, %select_n3A_122, %lt3A_128 : i32
        %ne3A_130 = arith.xori %lt3A_127, %lt3A_129 : i1
        %and3A_131 = arith.andi %ne3A_130, %ne3A_125 : i1
        %add3A_132 = arith.addi %rem3A_123, %select_n3A_122 : i32
        %select_n3A_133 = arith.select %and3A_131, %add3A_132, %rem3A_123 : i32
        %dma_start3A_134 = arith.constant 0 : i32
        %dma_start3A_135 = arith.constant 0 : i32
        %dma_start3A_136 = tpu.memref_slice %arg9[%select_n3A_133, %dma_start3A_134, %dma_start3A_135] : memref<4x56x128xf32, #tpu.memory_space<vmem>> -> memref<1x56x128xf32, #tpu.memory_space<vmem>>
        %dma_start3A_137 = tpu.memref_squeeze %dma_start3A_136 : memref<1x56x128xf32, #tpu.memory_space<vmem>> -> memref<56x128xf32, #tpu.memory_space<vmem>>
        %dma_start3A_138 = arith.constant 0 : i32
        %dma_start3A_139 = tpu.memref_slice %arg7[%sub3A_67, %dma_start3A_138] : memref<179x56xi32, #tpu.memory_space<vmem>> -> memref<1x56xi32, #tpu.memory_space<vmem>>
        %dma_start3A_140 = tpu.memref_squeeze %dma_start3A_139 : memref<1x56xi32, #tpu.memory_space<vmem>> -> memref<56xi32, #tpu.memory_space<vmem>>
        %dma_start3A_141 = arith.constant 0 : i32
        %dma_start3A_142 = arith.constant 0 : i32
        %dma_start3A_143 = tpu.memref_slice %arg2[%dma_start3A_141, %dma_start3A_142] : memref<10240x128xf32, #tpu.memory_space<hbm>> -> memref<10240x128xf32, #tpu.memory_space<hbm>>
        tpu.enqueue_indirect_dma source(%dma_start3A_143 : memref<10240x128xf32, #tpu.memory_space<hbm>>) target(%dma_start3A_137 : memref<56x128xf32, #tpu.memory_space<vmem>>) offsets(%dma_start3A_140 : memref<56xi32, #tpu.memory_space<vmem>>) semaphore(%arg11 : memref<!tpu.dma_semaphore, #tpu.memory_space<semaphore_mem>>)
      } else {
      }
      %jit3A = arith.constant 4 : i32
      %eq3A = arith.constant 0 : i32
      %eq3A_72 = arith.cmpi eq, %jit3A, %eq3A : i32
      %jit3A_73 = arith.constant 1 : i32
      %select_n3A = arith.select %eq3A_72, %jit3A_73, %jit3A : i32
      %rem3A = arith.remsi %scan3A_62, %select_n3A : i32
      %ne3A = arith.constant 0 : i32
      %ne3A_74 = arith.cmpi ne, %rem3A, %ne3A : i32
      %lt3A_75 = arith.constant 0 : i32
      %lt3A_76 = arith.cmpi slt, %rem3A, %lt3A_75 : i32
      %lt3A_77 = arith.constant 0 : i32
      %lt3A_78 = arith.cmpi slt, %select_n3A, %lt3A_77 : i32
      %ne3A_79 = arith.xori %lt3A_76, %lt3A_78 : i1
      %and3A = arith.andi %ne3A_79, %ne3A_74 : i1
      %add3A_80 = arith.addi %rem3A, %select_n3A : i32
      %select_n3A_81 = arith.select %and3A, %add3A_80, %rem3A : i32
      %dma_wait3A_82 = arith.constant 0 : i32
      %dma_wait3A_83 = arith.constant 0 : i32
      %dma_wait3A_84 = tpu.memref_slice %arg9[%select_n3A_81, %dma_wait3A_82, %dma_wait3A_83] : memref<4x56x128xf32, #tpu.memory_space<vmem>> -> memref<1x56x128xf32, #tpu.memory_space<vmem>>
      %dma_wait3A_85 = tpu.memref_squeeze %dma_wait3A_84 : memref<1x56x128xf32, #tpu.memory_space<vmem>> -> memref<56x128xf32, #tpu.memory_space<vmem>>
      %dma_wait3A_86 = arith.constant 0 : i32
      %dma_wait3A_87 = tpu.memref_slice %arg7[%scan3A_62, %dma_wait3A_86] : memref<179x56xi32, #tpu.memory_space<vmem>> -> memref<1x56xi32, #tpu.memory_space<vmem>>
      %dma_wait3A_88 = tpu.memref_squeeze %dma_wait3A_87 : memref<1x56xi32, #tpu.memory_space<vmem>> -> memref<56xi32, #tpu.memory_space<vmem>>
      %dma_wait3A_89 = arith.constant 0 : i32
      %dma_wait3A_90 = arith.constant 0 : i32
      %dma_wait3A_91 = tpu.memref_slice %arg2[%dma_wait3A_89, %dma_wait3A_90] : memref<10240x128xf32, #tpu.memory_space<hbm>> -> memref<10240x128xf32, #tpu.memory_space<hbm>>
      tpu.wait_indirect_dma semaphore(%arg11 : memref<!tpu.dma_semaphore, #tpu.memory_space<semaphore_mem>>) src(%dma_wait3A_91 : memref<10240x128xf32, #tpu.memory_space<hbm>>) dst(%dma_wait3A_85 : memref<56x128xf32, #tpu.memory_space<vmem>>)
      %jit3A_92 = arith.constant 4 : i32
      %eq3A_93 = arith.constant 0 : i32
      %eq3A_94 = arith.cmpi eq, %jit3A_92, %eq3A_93 : i32
      %jit3A_95 = arith.constant 1 : i32
      %select_n3A_96 = arith.select %eq3A_94, %jit3A_95, %jit3A_92 : i32
      %rem3A_97 = arith.remsi %scan3A_62, %select_n3A_96 : i32
      %ne3A_98 = arith.constant 0 : i32
      %ne3A_99 = arith.cmpi ne, %rem3A_97, %ne3A_98 : i32
      %lt3A_100 = arith.constant 0 : i32
      %lt3A_101 = arith.cmpi slt, %rem3A_97, %lt3A_100 : i32
      %lt3A_102 = arith.constant 0 : i32
      %lt3A_103 = arith.cmpi slt, %select_n3A_96, %lt3A_102 : i32
      %ne3A_104 = arith.xori %lt3A_101, %lt3A_103 : i1
      %and3A_105 = arith.andi %ne3A_104, %ne3A_99 : i1
      %add3A_106 = arith.addi %rem3A_97, %select_n3A_96 : i32
      %select_n3A_107 = arith.select %and3A_105, %add3A_106, %rem3A_97 : i32
      %dma_start3A_108 = arith.constant 0 : i32
      %dma_start3A_109 = arith.constant 0 : i32
      %dma_start3A_110 = tpu.memref_slice %arg9[%select_n3A_107, %dma_start3A_108, %dma_start3A_109] : memref<4x56x128xf32, #tpu.memory_space<vmem>> -> memref<1x56x128xf32, #tpu.memory_space<vmem>>
      %dma_start3A_111 = tpu.memref_squeeze %dma_start3A_110 : memref<1x56x128xf32, #tpu.memory_space<vmem>> -> memref<56x128xf32, #tpu.memory_space<vmem>>
      %dma_start3A_112 = arith.constant 0 : i32
      %dma_start3A_113 = tpu.memref_slice %arg8[%scan3A_62, %dma_start3A_112] : memref<179x56xi32, #tpu.memory_space<vmem>> -> memref<1x56xi32, #tpu.memory_space<vmem>>
      %dma_start3A_114 = tpu.memref_squeeze %dma_start3A_113 : memref<1x56xi32, #tpu.memory_space<vmem>> -> memref<56xi32, #tpu.memory_space<vmem>>
      %dma_start3A_115 = arith.constant 0 : i32
      %dma_start3A_116 = arith.constant 0 : i32
      %dma_start3A_117 = tpu.memref_slice %arg10[%dma_start3A_115, %dma_start3A_116] : memref<10240x128xf32, #tpu.memory_space<vmem_shared>> -> memref<10240x128xf32, #tpu.memory_space<vmem_shared>>
      tpu.enqueue_indirect_dma source(%dma_start3A_111 : memref<56x128xf32, #tpu.memory_space<vmem>>) target(%dma_start3A_117 : memref<10240x128xf32, #tpu.memory_space<vmem_shared>>) offsets(%dma_start3A_114 : memref<56xi32, #tpu.memory_space<vmem>>) semaphore(%arg12 : memref<!tpu.dma_semaphore, #tpu.memory_space<semaphore_mem>>) {add = true}
    }
    %scan3A_42 = arith.constant 179 : i32
    %dma_wait3A = arith.constant 2 : i32
    %dma_wait3A_43 = arith.constant 178 : i32
    %dma_wait3A_44 = arith.constant 0 : i32
    %dma_wait3A_45 = arith.constant 0 : i32
    %dma_wait3A_46 = tpu.memref_slice %arg9[%dma_wait3A, %dma_wait3A_44, %dma_wait3A_45] : memref<4x56x128xf32, #tpu.memory_space<vmem>> -> memref<1x56x128xf32, #tpu.memory_space<vmem>>
    %dma_wait3A_47 = tpu.memref_squeeze %dma_wait3A_46 : memref<1x56x128xf32, #tpu.memory_space<vmem>> -> memref<56x128xf32, #tpu.memory_space<vmem>>
    %dma_wait3A_48 = arith.constant 0 : i32
    %dma_wait3A_49 = tpu.memref_slice %arg8[%dma_wait3A_43, %dma_wait3A_48] : memref<179x56xi32, #tpu.memory_space<vmem>> -> memref<1x56xi32, #tpu.memory_space<vmem>>
    %dma_wait3A_50 = tpu.memref_squeeze %dma_wait3A_49 : memref<1x56xi32, #tpu.memory_space<vmem>> -> memref<56xi32, #tpu.memory_space<vmem>>
    %dma_wait3A_51 = arith.constant 0 : i32
    %dma_wait3A_52 = arith.constant 0 : i32
    %dma_wait3A_53 = tpu.memref_slice %arg10[%dma_wait3A_51, %dma_wait3A_52] : memref<10240x128xf32, #tpu.memory_space<vmem_shared>> -> memref<10240x128xf32, #tpu.memory_space<vmem_shared>>
    tpu.wait_indirect_dma semaphore(%arg12 : memref<!tpu.dma_semaphore, #tpu.memory_space<semaphore_mem>>) src(%dma_wait3A_47 : memref<56x128xf32, #tpu.memory_space<vmem>>) dst(%dma_wait3A_53 : memref<10240x128xf32, #tpu.memory_space<vmem_shared>>)
    %barrier3A_54 = arith.constant 0 : index
    tpu.barrier barrier_id(%barrier3A_54)
    %mul3A_55 = arith.constant 640 : i32
    %mul3A_56 = arith.muli %arg1, %mul3A_55 : i32
    %mul3A_57 = arith.constant 16 : i32
    %mul3A_58 = arith.muli %arg0, %mul3A_57 : i32
    %add3A_59 = arith.addi %mul3A_58, %arg1 : i32
    %mul3A_60 = arith.constant 640 : i32
    %mul3A_61 = arith.muli %add3A_59, %mul3A_60 : i32
    "tpu.region"() ({
      %run_scoped3A = tpu.sem_alloc : memref<!tpu.dma_semaphore, #tpu.memory_space<semaphore_mem>>
      %dma_start3A_62 = arith.constant 0 : i32
      %dma_start3A_63 = tpu.memref_slice %arg6[%mul3A_61, %dma_start3A_62] : memref<20480x128xf32, #tpu.memory_space<hbm>> -> memref<640x128xf32, #tpu.memory_space<hbm>>
      %dma_start3A_64 = arith.constant 0 : i32
      %dma_start3A_65 = tpu.memref_slice %arg10[%mul3A_56, %dma_start3A_64] : memref<10240x128xf32, #tpu.memory_space<vmem_shared>> -> memref<640x128xf32, #tpu.memory_space<vmem_shared>>
      tpu.enqueue_dma source(%dma_start3A_65 : memref<640x128xf32, #tpu.memory_space<vmem_shared>>) target(%dma_start3A_63 : memref<640x128xf32, #tpu.memory_space<hbm>>) target_semaphore(%run_scoped3A : memref<!tpu.dma_semaphore, #tpu.memory_space<semaphore_mem>>)
      %dma_wait3A_66 = arith.constant 0 : i32
      %dma_wait3A_67 = tpu.memref_slice %arg6[%mul3A_61, %dma_wait3A_66] : memref<20480x128xf32, #tpu.memory_space<hbm>> -> memref<640x128xf32, #tpu.memory_space<hbm>>
      %dma_wait3A_68 = arith.constant 0 : i32
      %dma_wait3A_69 = tpu.memref_slice %arg10[%mul3A_56, %dma_wait3A_68] : memref<10240x128xf32, #tpu.memory_space<vmem_shared>> -> memref<640x128xf32, #tpu.memory_space<vmem_shared>>
      tpu.wait_dma2 semaphore(%run_scoped3A : memref<!tpu.dma_semaphore, #tpu.memory_space<semaphore_mem>>) src(%dma_wait3A_69 : memref<640x128xf32, #tpu.memory_space<vmem_shared>>) dst(%dma_wait3A_67 : memref<640x128xf32, #tpu.memory_space<hbm>>)
      tpu.yield
    }) : () -> ()
    return
  }
}

module attributes {stable_mosaic.version = 14 : i64} {
  func.func @_tc1_body(%arg0: i32, %arg1: memref<512x128xf32, #tpu.memory_space<vmem>>, %arg2: memref<512x1xi32, #tpu.memory_space<vmem>>, %arg3: memref<512x1xf32, #tpu.memory_space<vmem>>, %arg4: memref<512x1xf32, #tpu.memory_space<vmem>>, %arg5: memref<512x1xf32, #tpu.memory_space<vmem>>, %arg6: memref<128x128xf32, #tpu.memory_space<vmem>>, %arg7: memref<16x128xf32, #tpu.memory_space<vmem>>, %arg8: memref<512x128xf32, #tpu.memory_space<vmem>>, %arg9: memref<512x128xf32, #tpu.memory_space<vmem>>, %arg10: memref<512x1xf32, #tpu.memory_space<vmem>>, %arg11: memref<512x1xf32, #tpu.memory_space<vmem>>) attributes {dimension_semantics = [#tpu.dimension_semantics<arbitrary>], iteration_bounds = array<i64: 20>, scalar_prefetch = 0 : i64, scratch_operands = 0 : i64, tpu.core_type = #tpu.core_type<tc>, window_params = [{transform_indices = @transform_0, window_bounds = array<i64: 512, 128>}, {transform_indices = @transform_1, window_bounds = array<i64: 512, 1>}, {transform_indices = @transform_2, window_bounds = array<i64: 512, 1>}, {transform_indices = @transform_3, window_bounds = array<i64: 512, 1>}, {transform_indices = @transform_4, window_bounds = array<i64: 512, 1>}, {pipeline_mode = #tpu.pipeline_mode<synchronous>, transform_indices = @transform_5, window_bounds = array<i64: 128, 128>}, {pipeline_mode = #tpu.pipeline_mode<synchronous>, transform_indices = @transform_6, window_bounds = array<i64: 16, 128>}, {transform_indices = @transform_7, window_bounds = array<i64: 512, 128>}, {transform_indices = @transform_8, window_bounds = array<i64: 512, 128>}, {transform_indices = @transform_9, window_bounds = array<i64: 512, 1>}, {transform_indices = @transform_10, window_bounds = array<i64: 512, 1>}]} {
    %get3A = arith.constant 0 : index
    %get3A_0 = arith.constant 0 : index
    %get3A_1 = vector.load %arg4[%get3A, %get3A_0] : memref<512x1xf32, #tpu.memory_space<vmem>>, vector<512x1xf32>
    %get3A_2 = arith.constant 0 : index
    %get3A_3 = arith.constant 0 : index
    %get3A_4 = vector.load %arg5[%get3A_2, %get3A_3] : memref<512x1xf32, #tpu.memory_space<vmem>>, vector<512x1xf32>
    %add3A = arith.addf %get3A_1, %get3A_4 : vector<512x1xf32>
    %add3A_5 = arith.constant 2.000000e+00 : f32
    %add3A_6 = vector.broadcast %add3A_5 : f32 to vector<512x1xf32>
    %add3A_7 = arith.addf %add3A, %add3A_6 : vector<512x1xf32>
    %rsqrt3A = math.rsqrt %add3A_7 : vector<512x1xf32>
    %div3A = arith.constant 2.000000e+00 : f32
    %div3A_8 = vector.broadcast %div3A : f32 to vector<512x1xf32>
    %div3A_9 = arith.divf %div3A_8, %add3A_7 : vector<512x1xf32>
    %get3A_10 = arith.constant 0 : index
    %get3A_11 = arith.constant 0 : index
    %get3A_12 = vector.load %arg2[%get3A_10, %get3A_11] : memref<512x1xi32, #tpu.memory_space<vmem>>, vector<512x1xi32>
    %iota3A = tpu.iota {dimensions = array<i32: 1>} : vector<512x16xi32>
    %eq3A = vector.broadcast %get3A_12 : vector<512x1xi32> to vector<512x16xi32>
    %eq3A_13 = arith.cmpi eq, %eq3A, %iota3A : vector<512x16xi32>
    %convert_element_type3A = arith.extui %eq3A_13 : vector<512x16xi1> to vector<512x16xi32>
    %convert_element_type3A_14 = arith.sitofp %convert_element_type3A : vector<512x16xi32> to vector<512x16xf32>
    %get3A_15 = arith.constant 0 : index
    %get3A_16 = arith.constant 0 : index
    %get3A_17 = vector.load %arg3[%get3A_15, %get3A_16] : memref<512x1xf32, #tpu.memory_space<vmem>>, vector<512x1xf32>
    %min3A = arith.constant 1.000000e+00 : f32
    %min3A_18 = vector.broadcast %min3A : f32 to vector<512x1xf32>
    %min3A_19 = arith.minimumf %get3A_17, %min3A_18 : vector<512x1xf32>
    %mul3A = vector.broadcast %min3A_19 : vector<512x1xf32> to vector<512x16xf32>
    %mul3A_20 = arith.mulf %convert_element_type3A_14, %mul3A : vector<512x16xf32>
    %get3A_21 = arith.constant 0 : index
    %get3A_22 = arith.constant 0 : index
    %get3A_23 = vector.load %arg1[%get3A_21, %get3A_22] : memref<512x128xf32, #tpu.memory_space<vmem>>, vector<512x128xf32>
    %get3A_24 = arith.constant 0 : index
    %get3A_25 = arith.constant 0 : index
    %get3A_26 = vector.load %arg6[%get3A_24, %get3A_25] : memref<128x128xf32, #tpu.memory_space<vmem>>, vector<128x128xf32>
    %dot_general3A = arith.constant dense<0.000000e+00> : vector<512x128xf32>
    %dot_general3A_27 = tpu.matmul %get3A_23, %get3A_26, %dot_general3A {dimension_numbers = #tpu.dot_dimension_numbers<[1], [0], [0], [1], [0, 0, 1, 1], [], []>, transpose_lhs_hint = false} : vector<512x128xf32>, vector<128x128xf32>, vector<512x128xf32> -> vector<512x128xf32>
    %get3A_28 = arith.constant 0 : index
    %get3A_29 = arith.constant 0 : index
    %get3A_30 = vector.load %arg7[%get3A_28, %get3A_29] : memref<16x128xf32, #tpu.memory_space<vmem>>, vector<16x128xf32>
    %dot_general3A_31 = arith.constant dense<0.000000e+00> : vector<512x128xf32>
    %dot_general3A_32 = tpu.matmul %mul3A_20, %get3A_30, %dot_general3A_31 {dimension_numbers = #tpu.dot_dimension_numbers<[1], [0], [0], [1], [0, 0, 1, 1], [], []>, transpose_lhs_hint = false} : vector<512x16xf32>, vector<16x128xf32>, vector<512x128xf32> -> vector<512x128xf32>
    %add3A_33 = arith.addf %dot_general3A_27, %dot_general3A_32 : vector<512x128xf32>
    %mul3A_34 = vector.broadcast %rsqrt3A : vector<512x1xf32> to vector<512x128xf32>
    %mul3A_35 = arith.mulf %mul3A_34, %add3A_33 : vector<512x128xf32>
    %swap3A = arith.constant 0 : index
    %swap3A_36 = arith.constant 0 : index
    %swap3A_37 = vector.load %arg8[%swap3A, %swap3A_36] : memref<512x128xf32, #tpu.memory_space<vmem>>, vector<512x128xf32>
    tpu.vector_store %arg8[%swap3A, %swap3A_36], %mul3A_35 {strides = array<i32>} : memref<512x128xf32, #tpu.memory_space<vmem>>, vector<512x128xf32>,
    %mul3A_38 = vector.broadcast %div3A_9 : vector<512x1xf32> to vector<512x128xf32>
    %mul3A_39 = arith.mulf %mul3A_38, %add3A_33 : vector<512x128xf32>
    %swap3A_40 = arith.constant 0 : index
    %swap3A_41 = arith.constant 0 : index
    %swap3A_42 = vector.load %arg9[%swap3A_40, %swap3A_41] : memref<512x128xf32, #tpu.memory_space<vmem>>, vector<512x128xf32>
    tpu.vector_store %arg9[%swap3A_40, %swap3A_41], %mul3A_39 {strides = array<i32>} : memref<512x128xf32, #tpu.memory_space<vmem>>, vector<512x128xf32>,
    %swap3A_43 = arith.constant 0 : index
    %swap3A_44 = arith.constant 0 : index
    %swap3A_45 = vector.load %arg10[%swap3A_43, %swap3A_44] : memref<512x1xf32, #tpu.memory_space<vmem>>, vector<512x1xf32>
    tpu.vector_store %arg10[%swap3A_43, %swap3A_44], %rsqrt3A {strides = array<i32>} : memref<512x1xf32, #tpu.memory_space<vmem>>, vector<512x1xf32>,
    %swap3A_46 = arith.constant 0 : index
    %swap3A_47 = arith.constant 0 : index
    %swap3A_48 = vector.load %arg11[%swap3A_46, %swap3A_47] : memref<512x1xf32, #tpu.memory_space<vmem>>, vector<512x1xf32>
    tpu.vector_store %arg11[%swap3A_46, %swap3A_47], %div3A_9 {strides = array<i32>} : memref<512x1xf32, #tpu.memory_space<vmem>>, vector<512x1xf32>,
    return
  }
  func.func @transform_0(%arg0: i32) -> (i32, i32) {
    %c0_i32 = arith.constant 0 : i32
    %c0_i32_0 = arith.constant 0 : i32
    return %arg0, %c0_i32 : i32, i32
  }
  func.func @transform_1(%arg0: i32) -> (i32, i32) {
    %c0_i32 = arith.constant 0 : i32
    %c0_i32_0 = arith.constant 0 : i32
    return %arg0, %c0_i32 : i32, i32
  }
  func.func @transform_2(%arg0: i32) -> (i32, i32) {
    %c0_i32 = arith.constant 0 : i32
    %c0_i32_0 = arith.constant 0 : i32
    return %arg0, %c0_i32 : i32, i32
  }
  func.func @transform_3(%arg0: i32) -> (i32, i32) {
    %c0_i32 = arith.constant 0 : i32
    %c0_i32_0 = arith.constant 0 : i32
    return %arg0, %c0_i32 : i32, i32
  }
  func.func @transform_4(%arg0: i32) -> (i32, i32) {
    %c0_i32 = arith.constant 0 : i32
    %c0_i32_0 = arith.constant 0 : i32
    return %arg0, %c0_i32 : i32, i32
  }
  func.func @transform_5(%arg0: i32) -> (i32, i32) {
    %c0_i32 = arith.constant 0 : i32
    %c0_i32_0 = arith.constant 0 : i32
    %c0_i32_1 = arith.constant 0 : i32
    return %c0_i32, %c0_i32_0 : i32, i32
  }
  func.func @transform_6(%arg0: i32) -> (i32, i32) {
    %c0_i32 = arith.constant 0 : i32
    %c0_i32_0 = arith.constant 0 : i32
    %c0_i32_1 = arith.constant 0 : i32
    return %c0_i32, %c0_i32_0 : i32, i32
  }
  func.func @transform_7(%arg0: i32) -> (i32, i32) {
    %c0_i32 = arith.constant 0 : i32
    %c0_i32_0 = arith.constant 0 : i32
    return %arg0, %c0_i32 : i32, i32
  }
  func.func @transform_8(%arg0: i32) -> (i32, i32) {
    %c0_i32 = arith.constant 0 : i32
    %c0_i32_0 = arith.constant 0 : i32
    return %arg0, %c0_i32 : i32, i32
  }
  func.func @transform_9(%arg0: i32) -> (i32, i32) {
    %c0_i32 = arith.constant 0 : i32
    %c0_i32_0 = arith.constant 0 : i32
    return %arg0, %c0_i32 : i32, i32
  }
  func.func @transform_10(%arg0: i32) -> (i32, i32) {
    %c0_i32 = arith.constant 0 : i32
    %c0_i32_0 = arith.constant 0 : i32
    return %arg0, %c0_i32 : i32, i32
  }
}

module attributes {stable_mosaic.version = 14 : i64} {
  func.func @_tc2_body(%arg0: i32, %arg1: memref<512x128xf32, #tpu.memory_space<vmem>>, %arg2: memref<512x128xf32, #tpu.memory_space<vmem>>, %arg3: memref<512x128xf32, #tpu.memory_space<vmem>>, %arg4: memref<512x1xf32, #tpu.memory_space<vmem>>, %arg5: memref<512x1xf32, #tpu.memory_space<vmem>>, %arg6: memref<1x128xf32, #tpu.memory_space<vmem>>, %arg7: memref<128x128xf32, #tpu.memory_space<vmem>>, %arg8: memref<512x128xf32, #tpu.memory_space<vmem>>, %arg9: memref<512x128xf32, #tpu.memory_space<vmem>>) attributes {dimension_semantics = [#tpu.dimension_semantics<arbitrary>], iteration_bounds = array<i64: 20>, scalar_prefetch = 0 : i64, scratch_operands = 0 : i64, tpu.core_type = #tpu.core_type<tc>, window_params = [{transform_indices = @transform_0, window_bounds = array<i64: 512, 128>}, {transform_indices = @transform_1, window_bounds = array<i64: 512, 128>}, {transform_indices = @transform_2, window_bounds = array<i64: 512, 128>}, {transform_indices = @transform_3, window_bounds = array<i64: 512, 1>}, {transform_indices = @transform_4, window_bounds = array<i64: 512, 1>}, {pipeline_mode = #tpu.pipeline_mode<synchronous>, transform_indices = @transform_5, window_bounds = array<i64: 1, 128>}, {pipeline_mode = #tpu.pipeline_mode<synchronous>, transform_indices = @transform_6, window_bounds = array<i64: 128, 128>}, {transform_indices = @transform_7, window_bounds = array<i64: 512, 128>}, {transform_indices = @transform_8, window_bounds = array<i64: 512, 128>}]} {
    %get3A = arith.constant 0 : index
    %get3A_0 = arith.constant 0 : index
    %get3A_1 = vector.load %arg4[%get3A, %get3A_0] : memref<512x1xf32, #tpu.memory_space<vmem>>, vector<512x1xf32>
    %get3A_2 = arith.constant 0 : index
    %get3A_3 = arith.constant 0 : index
    %get3A_4 = vector.load %arg1[%get3A_2, %get3A_3] : memref<512x128xf32, #tpu.memory_space<vmem>>, vector<512x128xf32>
    %get3A_5 = arith.constant 0 : index
    %get3A_6 = arith.constant 0 : index
    %get3A_7 = vector.load %arg2[%get3A_5, %get3A_6] : memref<512x128xf32, #tpu.memory_space<vmem>>, vector<512x128xf32>
    %add3A = arith.addf %get3A_4, %get3A_7 : vector<512x128xf32>
    %mul3A = vector.broadcast %get3A_1 : vector<512x1xf32> to vector<512x128xf32>
    %mul3A_8 = arith.mulf %mul3A, %add3A : vector<512x128xf32>
    %get3A_9 = arith.constant 0 : index
    %get3A_10 = arith.constant 0 : index
    %get3A_11 = vector.load %arg3[%get3A_9, %get3A_10] : memref<512x128xf32, #tpu.memory_space<vmem>>, vector<512x128xf32>
    %add3A_12 = arith.addf %mul3A_8, %get3A_11 : vector<512x128xf32>
    %get3A_13 = arith.constant 0 : index
    %get3A_14 = arith.constant 0 : index
    %get3A_15 = vector.load %arg6[%get3A_13, %get3A_14] : memref<1x128xf32, #tpu.memory_space<vmem>>, vector<1x128xf32>
    %add3A_16 = vector.broadcast %get3A_15 : vector<1x128xf32> to vector<512x128xf32>
    %add3A_17 = arith.addf %add3A_12, %add3A_16 : vector<512x128xf32>
    %max3A = arith.constant 0.000000e+00 : f32
    %max3A_18 = vector.broadcast %max3A : f32 to vector<512x128xf32>
    %max3A_19 = arith.maximumf %add3A_17, %max3A_18 : vector<512x128xf32>
    %get3A_20 = arith.constant 0 : index
    %get3A_21 = arith.constant 0 : index
    %get3A_22 = vector.load %arg7[%get3A_20, %get3A_21] : memref<128x128xf32, #tpu.memory_space<vmem>>, vector<128x128xf32>
    %dot_general3A = arith.constant dense<0.000000e+00> : vector<512x128xf32>
    %dot_general3A_23 = tpu.matmul %max3A_19, %get3A_22, %dot_general3A {dimension_numbers = #tpu.dot_dimension_numbers<[1], [0], [0], [1], [0, 0, 1, 1], [], []>, transpose_lhs_hint = false} : vector<512x128xf32>, vector<128x128xf32>, vector<512x128xf32> -> vector<512x128xf32>
    %mul3A_24 = vector.broadcast %get3A_1 : vector<512x1xf32> to vector<512x128xf32>
    %mul3A_25 = arith.mulf %mul3A_24, %dot_general3A_23 : vector<512x128xf32>
    %swap3A = arith.constant 0 : index
    %swap3A_26 = arith.constant 0 : index
    %swap3A_27 = vector.load %arg8[%swap3A, %swap3A_26] : memref<512x128xf32, #tpu.memory_space<vmem>>, vector<512x128xf32>
    tpu.vector_store %arg8[%swap3A, %swap3A_26], %mul3A_25 {strides = array<i32>} : memref<512x128xf32, #tpu.memory_space<vmem>>, vector<512x128xf32>,
    %get3A_28 = arith.constant 0 : index
    %get3A_29 = arith.constant 0 : index
    %get3A_30 = vector.load %arg5[%get3A_28, %get3A_29] : memref<512x1xf32, #tpu.memory_space<vmem>>, vector<512x1xf32>
    %mul3A_31 = vector.broadcast %get3A_30 : vector<512x1xf32> to vector<512x128xf32>
    %mul3A_32 = arith.mulf %mul3A_31, %dot_general3A_23 : vector<512x128xf32>
    %swap3A_33 = arith.constant 0 : index
    %swap3A_34 = arith.constant 0 : index
    %swap3A_35 = vector.load %arg9[%swap3A_33, %swap3A_34] : memref<512x128xf32, #tpu.memory_space<vmem>>, vector<512x128xf32>
    tpu.vector_store %arg9[%swap3A_33, %swap3A_34], %mul3A_32 {strides = array<i32>} : memref<512x128xf32, #tpu.memory_space<vmem>>, vector<512x128xf32>,
    return
  }
  func.func @transform_0(%arg0: i32) -> (i32, i32) {
    %c0_i32 = arith.constant 0 : i32
    %c0_i32_0 = arith.constant 0 : i32
    return %arg0, %c0_i32 : i32, i32
  }
  func.func @transform_1(%arg0: i32) -> (i32, i32) {
    %c0_i32 = arith.constant 0 : i32
    %c0_i32_0 = arith.constant 0 : i32
    return %arg0, %c0_i32 : i32, i32
  }
  func.func @transform_2(%arg0: i32) -> (i32, i32) {
    %c0_i32 = arith.constant 0 : i32
    %c0_i32_0 = arith.constant 0 : i32
    return %arg0, %c0_i32 : i32, i32
  }
  func.func @transform_3(%arg0: i32) -> (i32, i32) {
    %c0_i32 = arith.constant 0 : i32
    %c0_i32_0 = arith.constant 0 : i32
    return %arg0, %c0_i32 : i32, i32
  }
  func.func @transform_4(%arg0: i32) -> (i32, i32) {
    %c0_i32 = arith.constant 0 : i32
    %c0_i32_0 = arith.constant 0 : i32
    return %arg0, %c0_i32 : i32, i32
  }
  func.func @transform_5(%arg0: i32) -> (i32, i32) {
    %c0_i32 = arith.constant 0 : i32
    %c0_i32_0 = arith.constant 0 : i32
    %c0_i32_1 = arith.constant 0 : i32
    return %c0_i32, %c0_i32_0 : i32, i32
  }
  func.func @transform_6(%arg0: i32) -> (i32, i32) {
    %c0_i32 = arith.constant 0 : i32
    %c0_i32_0 = arith.constant 0 : i32
    %c0_i32_1 = arith.constant 0 : i32
    return %c0_i32, %c0_i32_0 : i32, i32
  }
  func.func @transform_7(%arg0: i32) -> (i32, i32) {
    %c0_i32 = arith.constant 0 : i32
    %c0_i32_0 = arith.constant 0 : i32
    return %arg0, %c0_i32 : i32, i32
  }
  func.func @transform_8(%arg0: i32) -> (i32, i32) {
    %c0_i32 = arith.constant 0 : i32
    %c0_i32_0 = arith.constant 0 : i32
    return %arg0, %c0_i32 : i32, i32
  }
}

module attributes {stable_mosaic.version = 14 : i64} {
  func.func @_tc3_body(%arg0: i32, %arg1: memref<512x128xf32, #tpu.memory_space<vmem>>, %arg2: memref<512x128xf32, #tpu.memory_space<vmem>>, %arg3: memref<512x128xf32, #tpu.memory_space<vmem>>, %arg4: memref<512x1xf32, #tpu.memory_space<vmem>>, %arg5: memref<1x128xf32, #tpu.memory_space<vmem>>, %arg6: memref<128x256xf32, #tpu.memory_space<vmem>>, %arg7: memref<1x256xf32, #tpu.memory_space<vmem>>, %arg8: memref<256x16xf32, #tpu.memory_space<vmem>>, %arg9: memref<1x16xf32, #tpu.memory_space<vmem>>, %arg10: memref<512x16xf32, #tpu.memory_space<vmem>>) attributes {dimension_semantics = [#tpu.dimension_semantics<arbitrary>], iteration_bounds = array<i64: 20>, scalar_prefetch = 0 : i64, scratch_operands = 0 : i64, tpu.core_type = #tpu.core_type<tc>, window_params = [{transform_indices = @transform_0, window_bounds = array<i64: 512, 128>}, {transform_indices = @transform_1, window_bounds = array<i64: 512, 128>}, {transform_indices = @transform_2, window_bounds = array<i64: 512, 128>}, {transform_indices = @transform_3, window_bounds = array<i64: 512, 1>}, {pipeline_mode = #tpu.pipeline_mode<synchronous>, transform_indices = @transform_4, window_bounds = array<i64: 1, 128>}, {pipeline_mode = #tpu.pipeline_mode<synchronous>, transform_indices = @transform_5, window_bounds = array<i64: 128, 256>}, {pipeline_mode = #tpu.pipeline_mode<synchronous>, transform_indices = @transform_6, window_bounds = array<i64: 1, 256>}, {pipeline_mode = #tpu.pipeline_mode<synchronous>, transform_indices = @transform_7, window_bounds = array<i64: 256, 16>}, {pipeline_mode = #tpu.pipeline_mode<synchronous>, transform_indices = @transform_8, window_bounds = array<i64: 1, 16>}, {transform_indices = @transform_9, window_bounds = array<i64: 512, 16>}]} {
    %get3A = arith.constant 0 : index
    %get3A_0 = arith.constant 0 : index
    %get3A_1 = vector.load %arg4[%get3A, %get3A_0] : memref<512x1xf32, #tpu.memory_space<vmem>>, vector<512x1xf32>
    %get3A_2 = arith.constant 0 : index
    %get3A_3 = arith.constant 0 : index
    %get3A_4 = vector.load %arg1[%get3A_2, %get3A_3] : memref<512x128xf32, #tpu.memory_space<vmem>>, vector<512x128xf32>
    %get3A_5 = arith.constant 0 : index
    %get3A_6 = arith.constant 0 : index
    %get3A_7 = vector.load %arg2[%get3A_5, %get3A_6] : memref<512x128xf32, #tpu.memory_space<vmem>>, vector<512x128xf32>
    %add3A = arith.addf %get3A_4, %get3A_7 : vector<512x128xf32>
    %mul3A = vector.broadcast %get3A_1 : vector<512x1xf32> to vector<512x128xf32>
    %mul3A_8 = arith.mulf %mul3A, %add3A : vector<512x128xf32>
    %get3A_9 = arith.constant 0 : index
    %get3A_10 = arith.constant 0 : index
    %get3A_11 = vector.load %arg3[%get3A_9, %get3A_10] : memref<512x128xf32, #tpu.memory_space<vmem>>, vector<512x128xf32>
    %add3A_12 = arith.addf %mul3A_8, %get3A_11 : vector<512x128xf32>
    %get3A_13 = arith.constant 0 : index
    %get3A_14 = arith.constant 0 : index
    %get3A_15 = vector.load %arg5[%get3A_13, %get3A_14] : memref<1x128xf32, #tpu.memory_space<vmem>>, vector<1x128xf32>
    %add3A_16 = vector.broadcast %get3A_15 : vector<1x128xf32> to vector<512x128xf32>
    %add3A_17 = arith.addf %add3A_12, %add3A_16 : vector<512x128xf32>
    %max3A = arith.constant 0.000000e+00 : f32
    %max3A_18 = vector.broadcast %max3A : f32 to vector<512x128xf32>
    %max3A_19 = arith.maximumf %add3A_17, %max3A_18 : vector<512x128xf32>
    %get3A_20 = arith.constant 0 : index
    %get3A_21 = arith.constant 0 : index
    %get3A_22 = vector.load %arg6[%get3A_20, %get3A_21] : memref<128x256xf32, #tpu.memory_space<vmem>>, vector<128x256xf32>
    %dot_general3A = arith.constant dense<0.000000e+00> : vector<512x256xf32>
    %dot_general3A_23 = tpu.matmul %max3A_19, %get3A_22, %dot_general3A {dimension_numbers = #tpu.dot_dimension_numbers<[1], [0], [0], [1], [0, 0, 1, 1], [], []>, transpose_lhs_hint = false} : vector<512x128xf32>, vector<128x256xf32>, vector<512x256xf32> -> vector<512x256xf32>
    %get3A_24 = arith.constant 0 : index
    %get3A_25 = arith.constant 0 : index
    %get3A_26 = vector.load %arg7[%get3A_24, %get3A_25] : memref<1x256xf32, #tpu.memory_space<vmem>>, vector<1x256xf32>
    %add3A_27 = vector.broadcast %get3A_26 : vector<1x256xf32> to vector<512x256xf32>
    %add3A_28 = arith.addf %dot_general3A_23, %add3A_27 : vector<512x256xf32>
    %gt3A = arith.constant 0.000000e+00 : f32
    %gt3A_29 = vector.broadcast %gt3A : f32 to vector<512x256xf32>
    %gt3A_30 = arith.cmpf ogt, %add3A_28, %gt3A_29 : vector<512x256xf32>
    %min3A = arith.constant 0.000000e+00 : f32
    %min3A_31 = vector.broadcast %min3A : f32 to vector<512x256xf32>
    %min3A_32 = arith.minimumf %add3A_28, %min3A_31 : vector<512x256xf32>
    %exp3A = math.exp %min3A_32 : vector<512x256xf32>
    %sub3A = arith.constant 1.000000e+00 : f32
    %sub3A_33 = vector.broadcast %sub3A : f32 to vector<512x256xf32>
    %sub3A_34 = arith.subf %exp3A, %sub3A_33 : vector<512x256xf32>
    %select_n3A = arith.select %gt3A_30, %add3A_28, %sub3A_34 : vector<512x256xi1>, vector<512x256xf32>
    %get3A_35 = arith.constant 0 : index
    %get3A_36 = arith.constant 0 : index
    %get3A_37 = vector.load %arg8[%get3A_35, %get3A_36] : memref<256x16xf32, #tpu.memory_space<vmem>>, vector<256x16xf32>
    %dot_general3A_38 = arith.constant dense<0.000000e+00> : vector<512x16xf32>
    %dot_general3A_39 = tpu.matmul %select_n3A, %get3A_37, %dot_general3A_38 {dimension_numbers = #tpu.dot_dimension_numbers<[1], [0], [0], [1], [0, 0, 1, 1], [], []>, transpose_lhs_hint = false} : vector<512x256xf32>, vector<256x16xf32>, vector<512x16xf32> -> vector<512x16xf32>
    %get3A_40 = arith.constant 0 : index
    %get3A_41 = arith.constant 0 : index
    %get3A_42 = vector.load %arg9[%get3A_40, %get3A_41] : memref<1x16xf32, #tpu.memory_space<vmem>>, vector<1x16xf32>
    %add3A_43 = vector.broadcast %get3A_42 : vector<1x16xf32> to vector<512x16xf32>
    %add3A_44 = arith.addf %dot_general3A_39, %add3A_43 : vector<512x16xf32>
    %reduce_max3A = arith.constant dense<0xFF800000> : vector<512xf32>
    %reduce_max3A_45 = vector.multi_reduction <maximumf>, %add3A_44, %reduce_max3A [1] : vector<512x16xf32> to vector<512xf32>
    %broadcast_in_dim3A = vector.shape_cast %reduce_max3A_45 : vector<512xf32> to vector<512x1xf32>
    %sub3A_46 = vector.broadcast %broadcast_in_dim3A : vector<512x1xf32> to vector<512x16xf32>
    %sub3A_47 = arith.subf %add3A_44, %sub3A_46 : vector<512x16xf32>
    %exp3A_48 = math.exp %sub3A_47 : vector<512x16xf32>
    %reduce_sum3A = arith.constant dense<0.000000e+00> : vector<512xf32>
    %reduce_sum3A_49 = vector.multi_reduction <add>, %exp3A_48, %reduce_sum3A [1] : vector<512x16xf32> to vector<512xf32>
    %broadcast_in_dim3A_50 = vector.shape_cast %reduce_sum3A_49 : vector<512xf32> to vector<512x1xf32>
    %log3A = math.log %broadcast_in_dim3A_50 : vector<512x1xf32>
    %sub3A_51 = vector.broadcast %log3A : vector<512x1xf32> to vector<512x16xf32>
    %sub3A_52 = arith.subf %sub3A_47, %sub3A_51 : vector<512x16xf32>
    %swap3A = arith.constant 0 : index
    %swap3A_53 = arith.constant 0 : index
    %swap3A_54 = vector.load %arg10[%swap3A, %swap3A_53] : memref<512x16xf32, #tpu.memory_space<vmem>>, vector<512x16xf32>
    tpu.vector_store %arg10[%swap3A, %swap3A_53], %sub3A_52 {strides = array<i32>} : memref<512x16xf32, #tpu.memory_space<vmem>>, vector<512x16xf32>,
    return
  }
  func.func @transform_0(%arg0: i32) -> (i32, i32) {
    %c0_i32 = arith.constant 0 : i32
    %c0_i32_0 = arith.constant 0 : i32
    return %arg0, %c0_i32 : i32, i32
  }
  func.func @transform_1(%arg0: i32) -> (i32, i32) {
    %c0_i32 = arith.constant 0 : i32
    %c0_i32_0 = arith.constant 0 : i32
    return %arg0, %c0_i32 : i32, i32
  }
  func.func @transform_2(%arg0: i32) -> (i32, i32) {
    %c0_i32 = arith.constant 0 : i32
    %c0_i32_0 = arith.constant 0 : i32
    return %arg0, %c0_i32 : i32, i32
  }
  func.func @transform_3(%arg0: i32) -> (i32, i32) {
    %c0_i32 = arith.constant 0 : i32
    %c0_i32_0 = arith.constant 0 : i32
    return %arg0, %c0_i32 : i32, i32
  }
  func.func @transform_4(%arg0: i32) -> (i32, i32) {
    %c0_i32 = arith.constant 0 : i32
    %c0_i32_0 = arith.constant 0 : i32
    %c0_i32_1 = arith.constant 0 : i32
    return %c0_i32, %c0_i32_0 : i32, i32
  }
  func.func @transform_5(%arg0: i32) -> (i32, i32) {
    %c0_i32 = arith.constant 0 : i32
    %c0_i32_0 = arith.constant 0 : i32
    %c0_i32_1 = arith.constant 0 : i32
    return %c0_i32, %c0_i32_0 : i32, i32
  }
  func.func @transform_6(%arg0: i32) -> (i32, i32) {
    %c0_i32 = arith.constant 0 : i32
    %c0_i32_0 = arith.constant 0 : i32
    %c0_i32_1 = arith.constant 0 : i32
    return %c0_i32, %c0_i32_0 : i32, i32
  }
  func.func @transform_7(%arg0: i32) -> (i32, i32) {
    %c0_i32 = arith.constant 0 : i32
    %c0_i32_0 = arith.constant 0 : i32
    %c0_i32_1 = arith.constant 0 : i32
    return %c0_i32, %c0_i32_0 : i32, i32
  }
  func.func @transform_8(%arg0: i32) -> (i32, i32) {
    %c0_i32 = arith.constant 0 : i32
    %c0_i32_0 = arith.constant 0 : i32
    %c0_i32_1 = arith.constant 0 : i32
    return %c0_i32, %c0_i32_0 : i32, i32
  }
  func.func @transform_9(%arg0: i32) -> (i32, i32) {
    %c0_i32 = arith.constant 0 : i32
    %c0_i32_0 = arith.constant 0 : i32
    return %arg0, %c0_i32 : i32, i32
  }
}

</mosaic_0001>

<sc_bundles>
// kernel: kernel.11.cloned.1.call-start
scs
__scs_entry_jumppad:
0x0: {  	(pc) =	sbr.rel $0x88, $3  }
0x1: {  	(tag) =	ssettag $0x0;
	lr =	simm.s32 $0x1  }
0x2: {  	[smem:$0x3F95] =	sst lr;
	_ =	strace $0xD0000000  }
0x3: {  	_ = 	snop  }
0x4: {  	_ = 	snop  }
0x5: {  	_ = 	snop  }
0x6: {  	_ = 	snop  }
0x7: {  	_ = 	snop  }
__scs_overlays_trampoline_lowered:
0x8: {  	[smem:$0x3FA4] =	sst s0  }
0x9: {  	[smem:$0x3FA5] =	sst s1  }
0xa: {  	[smem:$0x3FA6] =	sst s2  }
0xb: {  	[smem:$0x3FA7] =	sst s3  }
0xc: {  	[smem:$0x3FA8] =	sst s4  }
0xd: {  	[smem:$0x3FA9] =	sst s5  }
0xe: {  	[smem:$0x3FAA] =	sst s6  }
0xf: {  	[smem:$0x3FAB] =	sst s7  }
0x10: {  	[smem:$0x3FAC] =	sst s8  }
0x11: {  	[smem:$0x3FAD] =	sst s9;
	s0 =	simm.s32 @!p0 $0x0  }
0x12: {  	s1 =	sld [smem:$0x3F93];
	s0 =	simm.s32 @p0 $0x1  }
0x13: {  	[smem:$0x3FAE] =	sst s0;
	s0 =	simm.s32 @!p1 $0x0  }
0x14: {  	s2 =	sld [smem:$0x3F92];
	s0 =	simm.s32 @p1 $0x1  }
0x15: {  	[smem:$0x3FAF] =	sst s0;
	s0 =	simm.s32 @!p2 $0x0  }
0x16: {  	s3 =	sld [smem:$0x3FDB];
	s0 =	simm.s32 @p2 $0x1  }
0x17: {  	s4 =	simm.s32 $0x1BF5;
	[smem:$0x3FB1] =	sst s0  }
0x18: {  	s0 =	sld [smem:$0x3F94];
	_ =	swait.ge [sflag:s4], $0x0  }
0x19: {  	s7 =	sld [smem:$0x3F95]  }
0x1a: {  	s8 =	sadd.s32 $0xFFFFE003, lr  }
0x1b: {  	s9 =	sadd.s32 $0xFFFFFEF7, lr;
	s5 =	simm.s32 $0xFFFFFFFF;
	p2 =	slt.u32 s8, $0xFFFFF086  }
0x1c: {  	p1 =	slt.u32 s9, $0xF7A;
	s5 =	simm.s32 @!p2 $0x0  }
0x1d: {  	s5 =	simm.s32 @p1 $0x1;
	p0 =	seq.s32 s7, s2  }
0x1e: {  	s7 =	smul.u32 @!p0 $0xF7A, s2;
	p2 =	seq.s32 @!p0 s5, $0x0  }
0x1f: {  	s9 =	smul.u32 $0xF7A, s1;
	s8 =	simm.s32 @!p0 $0x1BF5;
	p2 =	por !p2, p0  }
0x20: {  	[sflag:s8] =	ssyncset.s32 @!p0 $0xFFFFF086;
	s6 =	sadd.s32 @!p0 s3, s7;
	s7 =	simm.s32 @!p0 $0x108  }
0x21: {  	s3 =	sadd.s32 s3, s9;
	s6 =	sadd.s32 @!p0 $0x88, s6;
	s7 =	simm.s32 @p2 $0x1082  }
0x22: {  	[simem:s7], [sflag:s8] =	dma.local @!p0 [hbm:s6], $0xF7A  }
0x23: {  	s9 =	sor.u32 $0xD0000000, s2;
	s6 =	simm.s32 $0x108;
	_ =	swait.ge @!p0 [sflag:s8], $0x0  }
0x24: {  	s3 =	sadd.s32 $0x88, s3;
	s6 =	simm.s32 @!p1 $0x1082;
	[sflag:s4] =	ssyncset.s32 $0xFFFFF086  }
0x25: {  	[simem:s6], [sflag:s4] =	dma.local [hbm:s3], $0xF7A  }
0x26: {  	[smem:$0x3F95] =	sst s1;
	(tag) =	ssettag s2;
	_ =	strace s9  }
0x27: {  	s1 =	sld [smem:$0x3FA5]  }
0x28: {  	s2 =	sld [smem:$0x3FA6]  }
0x29: {  	s4 =	sld [smem:$0x3FA8]  }
0x2a: {  	p0 =	seq.s32 s5, $0x0;
	s5 =	sld [smem:$0x3FA9]  }
0x2b: {  	s6 =	sld [smem:$0x3FAA]  }
0x2c: {  	s7 =	sld [smem:$0x3FAB]  }
0x2d: {  	s3 =	simm.s32 $0x108;
	s8 =	sld [smem:$0x3FAC]  }
0x2e: {  	s3 =	simm.s32 @!p0 $0x1082;
	s9 =	sld [smem:$0x3FAD]  }
0x2f: {  	lr =	sadd.s32 s0, s3;
	s0 =	sld [smem:$0x3FA4]  }
0x30: {  	s3 =	sld [smem:$0x3FA7]  }
0x31: {  	[smem:$0x3FB0] =	sst s10  }
0x32: {  	s10 =	sld [smem:$0x3FAE];
	_ =	sdelay $0x3  }
0x33: {  	p0 =	seq.s32 s10, $0x1;
	s10 =	sld [smem:$0x3FB0];
	_ =	sdelay $0x3  }
0x34: {  	[smem:$0x3FB0] =	sst s10  }
0x35: {  	s10 =	sld [smem:$0x3FAF];
	_ =	sdelay $0x3  }
0x36: {  	p1 =	seq.s32 s10, $0x1;
	s10 =	sld [smem:$0x3FB0];
	_ =	sdelay $0x3  }
0x37: {  	[smem:$0x3FB0] =	sst s10  }
0x38: {  	s10 =	sld [smem:$0x3FB1]  }
0x39: {  	_ = 	snop;
	(pc) =	sbr.ind lr, $3  }
0x3a: {  	_ = 	snop  }
0x3b: {  	_ = 	snop  }
0x3c: {  	p2 =	seq.s32 s10, $0x1;
	s10 =	sld [smem:$0x3FB0]  }
0x3d: {  	_ =	shalt  }
0x3e: {  	_ =	shalt  }
0x3f: {  	_ =	shalt  }
0x40: {  	_ =	shalt  }
0x41: {  	_ =	shalt  }
0x42: {  	_ =	shalt  }
0x43: {  	_ =	shalt  }
0x44: {  	_ =	shalt  }
0x45: {  	_ =	shalt  }
0x46: {  	_ =	shalt  }
0x47: {  	_ =	shalt  }
0x48: {  	_ =	shalt  }
0x49: {  	_ =	shalt  }
0x4a: {  	_ =	shalt  }
0x4b: {  	_ =	shalt  }
0x4c: {  	_ =	shalt  }
0x4d: {  	_ =	shalt  }
0x4e: {  	_ =	shalt  }
0x4f: {  	_ =	shalt  }
0x50: {  	_ =	shalt  }
0x51: {  	_ =	shalt  }
0x52: {  	_ =	shalt  }
0x53: {  	_ =	shalt  }
0x54: {  	_ =	shalt  }
0x55: {  	_ =	shalt  }
0x56: {  	_ =	shalt  }
0x57: {  	_ =	shalt  }
0x58: {  	_ =	shalt  }
0x59: {  	_ =	shalt  }
0x5a: {  	_ =	shalt  }
0x5b: {  	_ =	shalt  }
0x5c: {  	_ =	shalt  }
0x5d: {  	_ =	shalt  }
0x5e: {  	_ =	shalt  }
0x5f: {  	_ =	shalt  }
0x60: {  	_ =	shalt  }
0x61: {  	_ =	shalt  }
0x62: {  	_ =	shalt  }
0x63: {  	_ =	shalt  }
0x64: {  	_ =	shalt  }
0x65: {  	_ =	shalt  }
0x66: {  	_ =	shalt  }
0x67: {  	_ =	shalt  }
0x68: {  	_ =	shalt  }
0x69: {  	_ =	shalt  }
0x6a: {  	_ =	shalt  }
0x6b: {  	_ =	shalt  }
0x6c: {  	_ =	shalt  }
0x6d: {  	_ =	shalt  }
0x6e: {  	_ =	shalt  }
0x6f: {  	_ =	shalt  }
0x70: {  	_ =	shalt  }
0x71: {  	_ =	shalt  }
0x72: {  	_ =	shalt  }
0x73: {  	_ =	shalt  }
0x74: {  	_ =	shalt  }
0x75: {  	_ =	shalt  }
0x76: {  	_ =	shalt  }
0x77: {  	_ =	shalt  }
0x78: {  	_ =	shalt  }
0x79: {  	_ =	shalt  }
0x7a: {  	_ =	shalt  }
0x7b: {  	_ =	shalt  }
0x7c: {  	_ =	shalt  }
0x7d: {  	_ =	shalt  }
0x7e: {  	_ =	shalt  }
0x7f: {  	_ =	shalt  }
0x80: {  	_ =	shalt  }
0x81: {  	_ =	shalt  }
0x82: {  	_ =	shalt  }
0x83: {  	_ =	shalt  }
0x84: {  	_ =	shalt  }
0x85: {  	_ =	shalt  }
0x86: {  	_ =	shalt  }
0x87: {  	_ =	shalt  }
.Lfunc_end0:
.L_simem_size_0:
called_computation.1_lowered:
.L_overlay_start_0:
0x88: {  	s2 =	sld [smem:$0x3FD9]  }
0x89: {  	s3 =	sld [smem:$0x3FFE];
	_ =	sdelay $0x1  }
0x8a: {  	s1 =	srdreg.scid  }
0x8b: {  	s0 =	sand.u32 $0x1, s1  }
0x8c: {  	s17 =	sshll.u32 s0, $0xA;
	s2 =	sadd.s32 s3, s2  }
0x8d: {  	s2 =	sadd.s32 s2, s17  }
0x8e: {  	[smem:$0x3FBC] =	sst s2  }
0x8f: {  	_ = 	snop  }
0x90: {  	s2 =	sld [smem:$0x3FD0];
	(tm) =	ssettm $0x1  }
0x91: {  	s18 =	sld [smem:$0x3FFB];
	_ =	sdelay $0x3  }
0x92: {  	_ =	strace s18  }
0x93: {  	s3 =	sld [smem:$0x3FFC];
	_ =	sdelay $0x3  }
0x94: {  	_ =	strace s3  }
0x95: {  	s3 =	sld [smem:$0x3FFD];
	_ =	sdelay $0x3  }
0x96: {  	_ =	strace s3  }
0x97: {  	_ =	strace $0x8FFFFFFF  }
0x98: {  	s19 =	sld [smem:$0x3FDB];
	_ =	sdelay $0x1  }
0x99: {  	s4 =	simm.s32 $_scs_section_size  }
0x9a: {  	s5 =	simm.s32 $_size__tile_overlayer_lowered;
	s6 =	simm.s32 $_tile_overlayer_lowered  }
0x9b: {  	s22 =	simm.s32 $0x1BFF;
	s21 =	sshll.u32 s6, $0x1;
	s3 =	sadd.s32 s4, s19  }
0x9c: {  	s7 =	simm.s32 $0x0;
	s20 =	sshll.u32 s5, $0x1;
	s5 =	sadd.s32 s21, s3  }
0x9d: {  	[timem:s7], [sflag:s22] =	dma.local [hbm:s5], s20  }
0x9e: {  	_ =	swait.ge [sflag:s22], s20  }
0x9f: {  	s4 =	ssub.s32 $0x0, s20;
	[sflag:s22] =	ssyncset.done $0x0  }
0xa0: {  	[sflag:s22] =	ssyncadd.s32 s4;
	_ =	sdelay $0x1  }
0xa1: {  	s23 =	simm.s32 $0x1B8B  }
0xa2: {  	_ =	swait.ge [sflag:s23], $0x1  }
0xa3: {  	[sflag:s23] =	ssyncset.done $0x0  }
0xa4: {  	s25 =	simm.s32 $0x1B8E;
	s24 =	sld [smem:$0x3FFE];
	[sflag:s23] =	ssyncadd.s32 $0xFFFFFFFF  }
0xa5: {  	s26 =	simm.s32 $execute0_lowered;
	[smem:$0x3FD2] =	sst s25  }
0xa6: {  	s5 =	sshll.u32 s26, $0x1;
	_ =	strace $0x80000049;
	[dreg:$0x1] =	wrdreg $0xFFFFFFFF  }
0xa7: {  	s28 =	simm.s32 $_size_execute0_lowered;
	s3 =	sadd.s32 s3, s5;
	[dreg:$0x0] =	wrdreg $0x0  }
0xa8: {  	s5 =	sshll.u32 s28, $0x1;
	[dreg:$0x2] =	wrdreg s3  }
0xa9: {  	[dreg:$0x3] =	wrdreg s5  }
0xaa: {  	[dreg:$0x4] =	wrdreg $0xC0  }
0xab: {  	_ =	task [dreg:s7], $0x5FFFF  }
0xac: {  	[dreg:$0x1] =	wrdreg $0xFFFFFFFF  }
0xad: {  	[dreg:$0x0] =	wrdreg $0x60  }
0xae: {  	[dreg:$0x2] =	wrdreg s24  }
0xaf: {  	[dreg:$0x3] =	wrdreg s2  }
0xb0: {  	[dreg:$0x4] =	wrdreg $0xBE500  }
0xb1: {  	[dreg:$0x5] =	wrdreg $0x9  }
0xb2: {  	_ =	task.clear_ibuf [dreg:s7], $0x6FFFF;
	_ =	strace $0x90000049  }
0xb3: {  	s29 =	simm.s32 $0x9;
	_ =	strace $0x8000004B  }
0xb4: {  	_ =	swait.ge [sflag:s29], $0x1  }
0xb5: {  	[sflag:s29] =	ssyncadd.s32 $0xFFFFFFFF  }
0xb6: {  	_ =	strace $0x9000004B  }
0xb7: {  	_ =	sfence  }
0xb8: {  	s30 =	sld [smem:$0x0];
	_ =	sdelay $0x2  }
0xb9: {  	s31 =	sshll.u32 s1, $0xD;
	s1 =	sshrl.u32 s1, $0x2  }
0xba: {  	s3 =	sand.u32 $0x4000, s31;
	s1 =	sadd.s32 s1, s30  }
0xbb: {  	s0 =	sor.u32 s3, s0;
	s1 =	sshll.u32 s1, $0x11  }
0xbc: {  	s0 =	sor.u32 s1, s0  }
0xbd: {  	s0 =	sadd.s32 $0x8F2B, s0  }
0xbe: {  	[sflag:s0] =	ssyncadd.remote.s32 $0x1  }
0xbf: {  	_ =	sfence.sel $0xFFFF  }
0xc0: {  	[dreg:$0x0] =	wrdreg $0xFFFFFFFF;
	(pc) =	sbr.abs _section_cstart, $3  }
0xc1: {  	[dreg:$0x1] =	wrdreg $0xFFFFFFFF  }
0xc2: {  	_ =	task.clear_ibuf [dreg:s7], $0x2FFFF;
	_ =	strace $0x9FFFFFFF  }
0xc3: {  	(tm) =	ssettm $0x7FFFFFFF  }
tec
execute0_lowered:
.L_overlay_start_1:
0x0: {  	(tag) =	ssettag $0x1  }
0x1: {  	s6 =	rddreg [dreg:$0x0]  }
0x2: {  	s2 =	rddreg [dreg:$0x1]  }
0x3: {  	s1 =	srdreg.scid;
	s0 =	stileid.u32  }
0x4: {  	s3 =	rddreg [dreg:$0x2];
	s13 =	simm.s32 $0x2728;
	s14 =	simm.s32 $0x38  }
0x5: {  	s15 =	simm.s32 $0x4E50;
	s16 =	simm.s32 $0x6A50;
	s17 =	simm.s32 $0x70  }
0x6: {  	s18 =	simm.s32 $0x8650;
	s19 =	simm.s32 $0xA8;
	s20 =	simm.s32 $0xA250  }
0x7: {  	s21 =	simm.s32 $0x1;
	s22 =	simm.s32 $0x2;
	s23 =	simm.s32 $0x0  }
0x8: {  	s7 =	sand.u32 $0x1, s1;
	s4 =	sshll.u32 s0, $0x1;
	s10 =	smul.u32 $0x50000, s0  }
0x9: {  	s31 =	sshll.u32 s0, $0x6;
	s5 =	sor.u32 s7, s4;
	s8 =	sshll.u32 s7, $0x4  }
0xa: {  	s4 =	simm.s32 $0x0;
	s7 =	ssub.s32 $0x2, s7;
	s9 =	smul.u32 $0x4E5, s5  }
0xb: {  	s26 =	sor.u32 s0, s8;
	[smem:$0x7FF] =	sst s4;
	s5 =	sadd.s32 $0x17800, s6  }
0xc: {  	s28 =	sshrl.u32 s7, $0x1;
	s29 =	sshrl.u32 s10, $0x2;
	s8 =	smul.u32 $0x2800, s26  }
0xd: {  	_ =	strace $0x8000004A;
	s30 =	ssub.s32 s7, s28;
	s12 =	sadd.s32 s29, s3  }
0xe: {  	s9 =	sadd.s32 s9, s6;
	s10 =	smax.u32 s30, $0x1;
	s11 =	sadd.s32 s8, s6  }
0xf: {  	s6 =	sor.u32 $0x1C03, s31;
	s7 =	sadd.s32 $0xDA00, s9;
	s8 =	sadd.s32 $0x3C00, s9  }
0x10: {  	s9 =	sadd.s32 $0xB7800, s11;
	s11 =	sshrl.u32 s12, $0x3;
	s12 =	simm.s32 $0x3  }
.LBB2_1:
0x11: {  	[spmem:s11], [sflag:s6] =	dma.local [hbm:s2], $0x2800  }
0x12: {  	_ =	swait.ge [sflag:s12], $0x2800  }
0x13: {  	[sflag:s12] =	ssyncset.done $0x0  }
0x14: {  	[sflag:s12] =	ssyncadd.s32 $0xFFFFD800  }
0x15: {  	[bflag:$0x0] =	sbarrier.arrive $0xFFFF  }
0x16: {  	[tilespmem:s4], [sflag:$0x3] =	stream.linear.gather [hbm4b:s7+s4], $0x2728, $0x38;
	[tilespmem:$0x1FE50] =	vst v63  }
0x17: {  	_ =	swait.ge [sflag:s12], $0x2728  }
0x18: {  	[sflag:s12] =	ssyncset.done $0x0  }
0x19: {  	[sflag:s12] =	ssyncadd.s32 $0xFFFFD8D8  }
0x1a: {  	[tilespmem:s13], [sflag:$0x3] =	stream.linear.gather [hbm4b:s8+s4], $0x2728, $0x38;
	[tilespmem:$0x1FE50] =	vst v63  }
0x1b: {  	_ =	swait.ge [sflag:s12], $0x2728  }
0x1c: {  	[sflag:s12] =	ssyncset.done $0x0  }
0x1d: {  	[sflag:s12] =	ssyncadd.s32 $0xFFFFD8D8  }
0x1e: {  	[tilespmem:s15], [sflag:$0x1] =	stream.indirect.gather [hbm4b:s5+s14], $0x80, s4, s14, $0xb8;
	[tilespmem:$0x1FE50] =	vst v63  }
0x1f: {  	_ = 	snop  }
0x20: {  	[tilespmem:s16], [sflag:$0x1] =	stream.indirect.gather [hbm4b:s5+s14], $0x80, s14, s14, $0xb8;
	[tilespmem:$0x1FE50] =	vst v63  }
0x21: {  	_ = 	snop  }
0x22: {  	[tilespmem:s18], [sflag:$0x1] =	stream.indirect.gather [hbm4b:s5+s14], $0x80, s17, s14, $0xb8;
	[tilespmem:$0x1FE50] =	vst v63  }
0x23: {  	s24 =	simm.s32 $0x4  }
0x24: {  	[tilespmem:s20], [sflag:$0x1] =	stream.indirect.gather [hbm4b:s5+s14], $0x80, s19, s14, $0xb8;
	[tilespmem:$0x1FE50] =	vst v63  }
0x25: {  	p0 =	por $0x0, $0x0;
	s25 =	simm.s32 $0x2760;
	_ =	swait.ge [sflag:s21], $0x1C00  }
0x26: {  	s26 =	simm.s32 $0xE0;
	s24 =	sand.u32 @!p0 $0x3, s24;
	[sflag:s21] =	ssyncset.done $0x0  }
0x27: {  	s28 =	simm.s32 $0x5;
	s24 =	smul.u32 @!p0 $0x7000, s24;
	[sflag:s21] =	ssyncadd.s32 $0xFFFFE400  }
0x28: {  	[spmem:s3] =	stream.indirect.scatter.add.f32 [tilespmem:s15], [sflag:$0x2], $0x80, s13, s14, $0xb8;
	[tilespmem:$0x1FE50] =	vst v63  }
0x29: {  	s30 =	simm.s32 $0x1;
	s29 =	simm.s32 $0x6;
	_ =	swait.ge [sflag:s22], $0x1C00  }
0x2a: {  	s31 =	simm.s32 @!p0 $0x38;
	s24 =	sshrl.u32 @!p0 s24, $0x2;
	[sflag:s22] =	ssyncset.done $0x0  }
0x2b: {  	s30 =	sand.u32 $0x3, s30;
	s24 =	sadd.s32 @!p0 $0x4E50, s24;
	[sflag:s22] =	ssyncadd.s32 $0xFFFFE400  }
0x2c: {  	[tilespmem:s24], [sflag:$0x1] =	stream.indirect.gather @!p0 [hbm4b:s5+s31], $0x80, s26, s31, $0xb8;
	[tilespmem:$0x1FE50] =	vst v63  }
0x2d: {  	s31 =	smul.u32 $0x7000, s30;
	s26 =	simm.s32 $0x118;
	_ =	swait.ge [sflag:s21], $0x1C00  }
0x2e: {  	s30 =	simm.s32 $0x2;
	s24 =	simm.s32 $0x2798;
	[sflag:s21] =	ssyncset.done $0x0  }
.LBB2_2:
0x2f: {  	p1 =	sgt.u32 s30, $0xAF  }
0x30: {  	s31 =	sshrl.u32 s31, $0x2;
	s1 =	smov.u32 s29;
	s29 =	sadd.s32 $0x1, s29  }
0x31: {  	p0 =	sne.s32 s29, $0xB6;
	s28 =	sand.u32 @!p1 $0x3, s28;
	s31 =	sadd.s32 $0x4E50, s31  }
0x32: {  	s0 =	smul.u32 @!p1 $0x7000, s28;
	[sflag:s21] =	ssyncadd.s32 $0xFFFFE400;
	s28 =	smov.u32 s1  }
0x33: {  	[spmem:s3] =	stream.indirect.scatter.add.f32 [tilespmem:s31], [sflag:$0x2], $0x80, s25, s14, $0xb8;
	[tilespmem:$0x1FE50] =	vst v63  }
0x34: {  	s25 =	smov.u32 s24;
	_ =	swait.ge [sflag:s22], $0x1C00;
	s0 =	sshrl.u32 @!p1 s0, $0x2  }
.Ltmp0:
0x35: {  	[sflag:s22] =	ssyncset.done $0x0;
	s0 =	sadd.s32 @!p1 $0x4E50, s0;
	(pc) =	sbr.rel @p0 .LBB2_2-.Ltmp0, $4  }
0x36: {  	s30 =	sand.u32 $0x3, s30;
	s1 =	simm.s32 @!p1 $0x38;
	[sflag:s22] =	ssyncadd.s32 $0xFFFFE400  }
0x37: {  	[tilespmem:s0], [sflag:$0x1] =	stream.indirect.gather @!p1 [hbm4b:s5+s1], $0x80, s26, s1, $0xb8;
	[tilespmem:$0x1FE50] =	vst v63  }
0x38: {  	s31 =	smul.u32 $0x7000, s30;
	s26 =	sadd.s32 $0x38, s26;
	_ =	swait.ge [sflag:s21], $0x1C00  }
0x39: {  	s30 =	sadd.s32 $0xFFFFFFFD, s28;
	s24 =	sadd.s32 $0x38, s24;
	[sflag:s21] =	ssyncset.done $0x0  }
0x3a: {  	p0 =	sgt.u32 s30, $0xAF  }
0x3b: {  	s0 =	sshrl.u32 s31, $0x2;
	s1 =	sand.u32 @!p0 $0x3, s28  }
0x3c: {  	[sflag:s21] =	ssyncadd.s32 $0xFFFFE400;
	s0 =	sadd.s32 $0x4E50, s0;
	s1 =	smul.u32 @!p0 $0x7000, s1  }
0x3d: {  	[spmem:s3] =	stream.indirect.scatter.add.f32 [tilespmem:s0], [sflag:$0x2], $0x80, s25, s14, $0xb8;
	[tilespmem:$0x1FE50] =	vst v63  }
0x3e: {  	s30 =	sand.u32 $0x3, s30;
	_ =	swait.ge [sflag:s22], $0x1C00  }
0x3f: {  	s31 =	smul.u32 $0x7000, s30;
	s0 =	sshrl.u32 @!p0 s1, $0x2;
	[sflag:s22] =	ssyncset.done $0x0  }
0x40: {  	s1 =	simm.s32 @!p0 $0x38;
	s0 =	sadd.s32 @!p0 $0x4E50, s0;
	[sflag:s22] =	ssyncadd.s32 $0xFFFFE400  }
0x41: {  	[tilespmem:s0], [sflag:$0x1] =	stream.indirect.gather @!p0 [hbm4b:s5+s1], $0x80, s26, s1, $0xb8;
	[tilespmem:$0x1FE50] =	vst v63  }
0x42: {  	_ =	swait.ge [sflag:s21], $0x1C00  }
0x43: {  	s0 =	sshrl.u32 s31, $0x2;
	[sflag:s21] =	ssyncset.done $0x0  }
0x44: {  	s0 =	sadd.s32 $0x4E50, s0;
	[sflag:s21] =	ssyncadd.s32 $0xFFFFE400  }
0x45: {  	[spmem:s3] =	stream.indirect.scatter.add.f32 [tilespmem:s0], [sflag:$0x2], $0x80, s24, s14, $0xb8;
	[tilespmem:$0x1FE50] =	vst v63  }
0x46: {  	_ =	swait.ge [sflag:s22], $0x1C00  }
0x47: {  	s23 =	sadd.s32 $0x1, s23;
	[sflag:s22] =	ssyncset.done $0x0  }
0x48: {  	p0 =	sne.s32 s23, s10;
	[sflag:s22] =	ssyncadd.s32 $0xFFFFE400  }
.Ltmp1:
0x49: {  	[bflag:$0x0] =	sbarrier.arrive $0xFFFF;
	(pc) =	sbr.rel @p0 .LBB2_1-.Ltmp1, $4  }
0x4a: {  	[hbm:s9], [sflag:s6] =	dma.local [spmem:s11], $0x2800  }
0x4b: {  	_ =	swait.ge [sflag:s12], $0x2800  }
0x4c: {  	[sflag:s12] =	ssyncset.done $0x0  }
0x4d: {  	[sflag:s12] =	ssyncadd.s32 $0xFFFFD800  }
0x4e: {  	_ =	sfence.sel $0x180000  }
0x4f: {  	[bflag:$0x0] =	sbarrier.arrive $0xFFFF  }
0x50: {  	_ =	strace $0x9000004A  }
0x51: {  	s0 =	stileid.u32;
	[bflag:$0x2] =	sbarrier.arrive $0xFFFF  }
0x52: {  	p0 =	sne.s32 s0, $0x0;
	s0 =	rddreg [dreg:$0x3]  }
0x53: {  	s0 =	sadd.s32 @!p0 $0x100000, s0  }
0x54: {  	[sflag:s0] =	ssyncadd.tile.s32 @!p0 $0x1;
	_ =	shalt  }
.Lfunc_end2:
_tile_overlayer_lowered:
.L_overlay_start_2:
0x55: {  	(tag) =	ssettag $0x2  }
0x56: {  	s0 =	rddreg [dreg:$0x0];
	s2 =	stileid.u32  }
0x57: {  	s1 =	rddreg [dreg:$0x1];
	p0 =	sne.s32 s2, $0x0  }
0x58: {  	s3 =	rddreg [dreg:$0x2];
	[bflag:$0x3] =	sbarrier.arrive $0xFFFF;
	s2 =	simm.s32 @!p0 $0x1C03  }
0x59: {  	[timem:s3], [sflag:s2] =	dma.local @!p0 [hbm:s0], s1  }
0x5a: {  	s0 =	simm.s32 @!p0 $0x3  }
0x5b: {  	_ =	swait.ge @!p0 [sflag:s0], s1  }
0x5c: {  	s1 =	ssub.s32 @!p0 $0x0, s1;
	[sflag:s0] =	ssyncset.done @!p0 $0x0  }
0x5d: {  	[sflag:s0] =	ssyncadd.s32 @!p0 s1  }
0x5e: {  	[bflag:$0x3] =	sbarrier.arrive $0xFFFF  }
0x5f: {  	_ =	shalt  }

// kernel: kernel.14.cloned.1.call-start
scs
__scs_entry_jumppad:
0x0: {  	(pc) =	sbr.rel $0x88, $3  }
0x1: {  	(tag) =	ssettag $0x0;
	lr =	simm.s32 $0x1  }
0x2: {  	[smem:$0x3F95] =	sst lr;
	_ =	strace $0xD0000000  }
0x3: {  	_ = 	snop  }
0x4: {  	_ = 	snop  }
0x5: {  	_ = 	snop  }
0x6: {  	_ = 	snop  }
0x7: {  	_ = 	snop  }
__scs_overlays_trampoline_lowered:
0x8: {  	[smem:$0x3FA4] =	sst s0  }
0x9: {  	[smem:$0x3FA5] =	sst s1  }
0xa: {  	[smem:$0x3FA6] =	sst s2  }
0xb: {  	[smem:$0x3FA7] =	sst s3  }
0xc: {  	[smem:$0x3FA8] =	sst s4  }
0xd: {  	[smem:$0x3FA9] =	sst s5  }
0xe: {  	[smem:$0x3FAA] =	sst s6  }
0xf: {  	[smem:$0x3FAB] =	sst s7  }
0x10: {  	[smem:$0x3FAC] =	sst s8  }
0x11: {  	[smem:$0x3FAD] =	sst s9;
	s0 =	simm.s32 @!p0 $0x0  }
0x12: {  	s1 =	sld [smem:$0x3F93];
	s0 =	simm.s32 @p0 $0x1  }
0x13: {  	[smem:$0x3FAE] =	sst s0;
	s0 =	simm.s32 @!p1 $0x0  }
0x14: {  	s2 =	sld [smem:$0x3F92];
	s0 =	simm.s32 @p1 $0x1  }
0x15: {  	[smem:$0x3FAF] =	sst s0;
	s0 =	simm.s32 @!p2 $0x0  }
0x16: {  	s3 =	sld [smem:$0x3FDB];
	s0 =	simm.s32 @p2 $0x1  }
0x17: {  	s4 =	simm.s32 $0x1BF5;
	[smem:$0x3FB1] =	sst s0  }
0x18: {  	s0 =	sld [smem:$0x3F94];
	_ =	swait.ge [sflag:s4], $0x0  }
0x19: {  	s7 =	sld [smem:$0x3F95]  }
0x1a: {  	s8 =	sadd.s32 $0xFFFFE003, lr  }
0x1b: {  	s9 =	sadd.s32 $0xFFFFFEF7, lr;
	s5 =	simm.s32 $0xFFFFFFFF;
	p2 =	slt.u32 s8, $0xFFFFF086  }
0x1c: {  	p1 =	slt.u32 s9, $0xF7A;
	s5 =	simm.s32 @!p2 $0x0  }
0x1d: {  	s5 =	simm.s32 @p1 $0x1;
	p0 =	seq.s32 s7, s2  }
0x1e: {  	s7 =	smul.u32 @!p0 $0xF7A, s2;
	p2 =	seq.s32 @!p0 s5, $0x0  }
0x1f: {  	s9 =	smul.u32 $0xF7A, s1;
	s8 =	simm.s32 @!p0 $0x1BF5;
	p2 =	por !p2, p0  }
0x20: {  	[sflag:s8] =	ssyncset.s32 @!p0 $0xFFFFF086;
	s6 =	sadd.s32 @!p0 s3, s7;
	s7 =	simm.s32 @!p0 $0x108  }
0x21: {  	s3 =	sadd.s32 s3, s9;
	s6 =	sadd.s32 @!p0 $0x88, s6;
	s7 =	simm.s32 @p2 $0x1082  }
0x22: {  	[simem:s7], [sflag:s8] =	dma.local @!p0 [hbm:s6], $0xF7A  }
0x23: {  	s9 =	sor.u32 $0xD0000000, s2;
	s6 =	simm.s32 $0x108;
	_ =	swait.ge @!p0 [sflag:s8], $0x0  }
0x24: {  	s3 =	sadd.s32 $0x88, s3;
	s6 =	simm.s32 @!p1 $0x1082;
	[sflag:s4] =	ssyncset.s32 $0xFFFFF086  }
0x25: {  	[simem:s6], [sflag:s4] =	dma.local [hbm:s3], $0xF7A  }
0x26: {  	[smem:$0x3F95] =	sst s1;
	(tag) =	ssettag s2;
	_ =	strace s9  }
0x27: {  	s1 =	sld [smem:$0x3FA5]  }
0x28: {  	s2 =	sld [smem:$0x3FA6]  }
0x29: {  	s4 =	sld [smem:$0x3FA8]  }
0x2a: {  	p0 =	seq.s32 s5, $0x0;
	s5 =	sld [smem:$0x3FA9]  }
0x2b: {  	s6 =	sld [smem:$0x3FAA]  }
0x2c: {  	s7 =	sld [smem:$0x3FAB]  }
0x2d: {  	s3 =	simm.s32 $0x108;
	s8 =	sld [smem:$0x3FAC]  }
0x2e: {  	s3 =	simm.s32 @!p0 $0x1082;
	s9 =	sld [smem:$0x3FAD]  }
0x2f: {  	lr =	sadd.s32 s0, s3;
	s0 =	sld [smem:$0x3FA4]  }
0x30: {  	s3 =	sld [smem:$0x3FA7]  }
0x31: {  	[smem:$0x3FB0] =	sst s10  }
0x32: {  	s10 =	sld [smem:$0x3FAE];
	_ =	sdelay $0x3  }
0x33: {  	p0 =	seq.s32 s10, $0x1;
	s10 =	sld [smem:$0x3FB0];
	_ =	sdelay $0x3  }
0x34: {  	[smem:$0x3FB0] =	sst s10  }
0x35: {  	s10 =	sld [smem:$0x3FAF];
	_ =	sdelay $0x3  }
0x36: {  	p1 =	seq.s32 s10, $0x1;
	s10 =	sld [smem:$0x3FB0];
	_ =	sdelay $0x3  }
0x37: {  	[smem:$0x3FB0] =	sst s10  }
0x38: {  	s10 =	sld [smem:$0x3FB1]  }
0x39: {  	_ = 	snop;
	(pc) =	sbr.ind lr, $3  }
0x3a: {  	_ = 	snop  }
0x3b: {  	_ = 	snop  }
0x3c: {  	p2 =	seq.s32 s10, $0x1;
	s10 =	sld [smem:$0x3FB0]  }
0x3d: {  	_ =	shalt  }
0x3e: {  	_ =	shalt  }
0x3f: {  	_ =	shalt  }
0x40: {  	_ =	shalt  }
0x41: {  	_ =	shalt  }
0x42: {  	_ =	shalt  }
0x43: {  	_ =	shalt  }
0x44: {  	_ =	shalt  }
0x45: {  	_ =	shalt  }
0x46: {  	_ =	shalt  }
0x47: {  	_ =	shalt  }
0x48: {  	_ =	shalt  }
0x49: {  	_ =	shalt  }
0x4a: {  	_ =	shalt  }
0x4b: {  	_ =	shalt  }
0x4c: {  	_ =	shalt  }
0x4d: {  	_ =	shalt  }
0x4e: {  	_ =	shalt  }
0x4f: {  	_ =	shalt  }
0x50: {  	_ =	shalt  }
0x51: {  	_ =	shalt  }
0x52: {  	_ =	shalt  }
0x53: {  	_ =	shalt  }
0x54: {  	_ =	shalt  }
0x55: {  	_ =	shalt  }
0x56: {  	_ =	shalt  }
0x57: {  	_ =	shalt  }
0x58: {  	_ =	shalt  }
0x59: {  	_ =	shalt  }
0x5a: {  	_ =	shalt  }
0x5b: {  	_ =	shalt  }
0x5c: {  	_ =	shalt  }
0x5d: {  	_ =	shalt  }
0x5e: {  	_ =	shalt  }
0x5f: {  	_ =	shalt  }
0x60: {  	_ =	shalt  }
0x61: {  	_ =	shalt  }
0x62: {  	_ =	shalt  }
0x63: {  	_ =	shalt  }
0x64: {  	_ =	shalt  }
0x65: {  	_ =	shalt  }
0x66: {  	_ =	shalt  }
0x67: {  	_ =	shalt  }
0x68: {  	_ =	shalt  }
0x69: {  	_ =	shalt  }
0x6a: {  	_ =	shalt  }
0x6b: {  	_ =	shalt  }
0x6c: {  	_ =	shalt  }
0x6d: {  	_ =	shalt  }
0x6e: {  	_ =	shalt  }
0x6f: {  	_ =	shalt  }
0x70: {  	_ =	shalt  }
0x71: {  	_ =	shalt  }
0x72: {  	_ =	shalt  }
0x73: {  	_ =	shalt  }
0x74: {  	_ =	shalt  }
0x75: {  	_ =	shalt  }
0x76: {  	_ =	shalt  }
0x77: {  	_ =	shalt  }
0x78: {  	_ =	shalt  }
0x79: {  	_ =	shalt  }
0x7a: {  	_ =	shalt  }
0x7b: {  	_ =	shalt  }
0x7c: {  	_ =	shalt  }
0x7d: {  	_ =	shalt  }
0x7e: {  	_ =	shalt  }
0x7f: {  	_ =	shalt  }
0x80: {  	_ =	shalt  }
0x81: {  	_ =	shalt  }
0x82: {  	_ =	shalt  }
0x83: {  	_ =	shalt  }
0x84: {  	_ =	shalt  }
0x85: {  	_ =	shalt  }
0x86: {  	_ =	shalt  }
0x87: {  	_ =	shalt  }
.Lfunc_end0:
.L_simem_size_0:
called_computation.2_lowered:
.L_overlay_start_0:
0x88: {  	s2 =	sld [smem:$0x3FD9]  }
0x89: {  	s3 =	sld [smem:$0x3FFE];
	_ =	sdelay $0x1  }
0x8a: {  	s1 =	srdreg.scid  }
0x8b: {  	s0 =	sand.u32 $0x1, s1  }
0x8c: {  	s17 =	sshll.u32 s0, $0xA;
	s2 =	sadd.s32 s3, s2  }
0x8d: {  	s2 =	sadd.s32 s2, s17  }
0x8e: {  	[smem:$0x3FBC] =	sst s2  }
0x8f: {  	_ = 	snop  }
0x90: {  	s2 =	sld [smem:$0x3FD0];
	(tm) =	ssettm $0x1  }
0x91: {  	s18 =	sld [smem:$0x3FFB];
	_ =	sdelay $0x3  }
0x92: {  	_ =	strace s18  }
0x93: {  	s3 =	sld [smem:$0x3FFC];
	_ =	sdelay $0x3  }
0x94: {  	_ =	strace s3  }
0x95: {  	s3 =	sld [smem:$0x3FFD];
	_ =	sdelay $0x3  }
0x96: {  	_ =	strace s3  }
0x97: {  	_ =	strace $0x8FFFFFFF  }
0x98: {  	s19 =	sld [smem:$0x3FDB];
	_ =	sdelay $0x1  }
0x99: {  	s4 =	simm.s32 $_scs_section_size  }
0x9a: {  	s5 =	simm.s32 $_size__tile_overlayer_lowered;
	s6 =	simm.s32 $_tile_overlayer_lowered  }
0x9b: {  	s22 =	simm.s32 $0x1BFF;
	s21 =	sshll.u32 s6, $0x1;
	s3 =	sadd.s32 s4, s19  }
0x9c: {  	s7 =	simm.s32 $0x0;
	s20 =	sshll.u32 s5, $0x1;
	s5 =	sadd.s32 s21, s3  }
0x9d: {  	[timem:s7], [sflag:s22] =	dma.local [hbm:s5], s20  }
0x9e: {  	_ =	swait.ge [sflag:s22], s20  }
0x9f: {  	s4 =	ssub.s32 $0x0, s20;
	[sflag:s22] =	ssyncset.done $0x0  }
0xa0: {  	[sflag:s22] =	ssyncadd.s32 s4;
	_ =	sdelay $0x1  }
0xa1: {  	s23 =	simm.s32 $0x1B8B  }
0xa2: {  	_ =	swait.ge [sflag:s23], $0x1  }
0xa3: {  	[sflag:s23] =	ssyncset.done $0x0  }
0xa4: {  	s25 =	simm.s32 $0x1B8E;
	s24 =	sld [smem:$0x3FFE];
	[sflag:s23] =	ssyncadd.s32 $0xFFFFFFFF  }
0xa5: {  	s26 =	simm.s32 $execute0_lowered;
	[smem:$0x3FD2] =	sst s25  }
0xa6: {  	s5 =	sshll.u32 s26, $0x1;
	_ =	strace $0x8000004C;
	[dreg:$0x1] =	wrdreg $0xFFFFFFFF  }
0xa7: {  	s28 =	simm.s32 $_size_execute0_lowered;
	s3 =	sadd.s32 s3, s5;
	[dreg:$0x0] =	wrdreg $0x0  }
0xa8: {  	s5 =	sshll.u32 s28, $0x1;
	[dreg:$0x2] =	wrdreg s3  }
0xa9: {  	[dreg:$0x3] =	wrdreg s5  }
0xaa: {  	[dreg:$0x4] =	wrdreg $0xC0  }
0xab: {  	_ =	task [dreg:s7], $0x5FFFF  }
0xac: {  	[dreg:$0x1] =	wrdreg $0xFFFFFFFF  }
0xad: {  	[dreg:$0x0] =	wrdreg $0x60  }
0xae: {  	[dreg:$0x2] =	wrdreg s24  }
0xaf: {  	[dreg:$0x3] =	wrdreg s2  }
0xb0: {  	[dreg:$0x4] =	wrdreg $0xBE500  }
0xb1: {  	[dreg:$0x5] =	wrdreg $0x9  }
0xb2: {  	_ =	task.clear_ibuf [dreg:s7], $0x6FFFF;
	_ =	strace $0x9000004C  }
0xb3: {  	s29 =	simm.s32 $0x9;
	_ =	strace $0x8000004E  }
0xb4: {  	_ =	swait.ge [sflag:s29], $0x1  }
0xb5: {  	[sflag:s29] =	ssyncadd.s32 $0xFFFFFFFF  }
0xb6: {  	_ =	strace $0x9000004E  }
0xb7: {  	_ =	sfence  }
0xb8: {  	s30 =	sld [smem:$0x0];
	_ =	sdelay $0x2  }
0xb9: {  	s31 =	sshll.u32 s1, $0xD;
	s1 =	sshrl.u32 s1, $0x2  }
0xba: {  	s3 =	sand.u32 $0x4000, s31;
	s1 =	sadd.s32 s1, s30  }
0xbb: {  	s0 =	sor.u32 s3, s0;
	s1 =	sshll.u32 s1, $0x11  }
0xbc: {  	s0 =	sor.u32 s1, s0  }
0xbd: {  	s0 =	sadd.s32 $0x8F2B, s0  }
0xbe: {  	[sflag:s0] =	ssyncadd.remote.s32 $0x1  }
0xbf: {  	_ =	sfence.sel $0xFFFF  }
0xc0: {  	[dreg:$0x0] =	wrdreg $0xFFFFFFFF;
	(pc) =	sbr.abs _section_cstart, $3  }
0xc1: {  	[dreg:$0x1] =	wrdreg $0xFFFFFFFF  }
0xc2: {  	_ =	task.clear_ibuf [dreg:s7], $0x2FFFF;
	_ =	strace $0x9FFFFFFF  }
0xc3: {  	(tm) =	ssettm $0x7FFFFFFF  }
tec
execute0_lowered:
.L_overlay_start_1:
0x0: {  	(tag) =	ssettag $0x1  }
0x1: {  	s6 =	rddreg [dreg:$0x0]  }
0x2: {  	s2 =	rddreg [dreg:$0x1]  }
0x3: {  	s1 =	srdreg.scid;
	s0 =	stileid.u32  }
0x4: {  	s3 =	rddreg [dreg:$0x2];
	s13 =	simm.s32 $0x2728;
	s14 =	simm.s32 $0x38  }
0x5: {  	s15 =	simm.s32 $0x4E50;
	s16 =	simm.s32 $0x6A50;
	s17 =	simm.s32 $0x70  }
0x6: {  	s18 =	simm.s32 $0x8650;
	s19 =	simm.s32 $0xA8;
	s20 =	simm.s32 $0xA250  }
0x7: {  	s21 =	simm.s32 $0x1;
	s22 =	simm.s32 $0x2;
	s23 =	simm.s32 $0x0  }
0x8: {  	s7 =	sand.u32 $0x1, s1;
	s4 =	sshll.u32 s0, $0x1;
	s10 =	smul.u32 $0x50000, s0  }
0x9: {  	s31 =	sshll.u32 s0, $0x6;
	s5 =	sor.u32 s7, s4;
	s8 =	sshll.u32 s7, $0x4  }
0xa: {  	s4 =	simm.s32 $0x0;
	s7 =	ssub.s32 $0x2, s7;
	s9 =	smul.u32 $0x4E5, s5  }
0xb: {  	s26 =	sor.u32 s0, s8;
	[smem:$0x7FF] =	sst s4;
	s5 =	sadd.s32 $0x17800, s6  }
0xc: {  	s28 =	sshrl.u32 s7, $0x1;
	s29 =	sshrl.u32 s10, $0x2;
	s8 =	smul.u32 $0x2800, s26  }
0xd: {  	_ =	strace $0x8000004D;
	s30 =	ssub.s32 s7, s28;
	s12 =	sadd.s32 s29, s3  }
0xe: {  	s9 =	sadd.s32 s9, s6;
	s10 =	smax.u32 s30, $0x1;
	s11 =	sadd.s32 s8, s6  }
0xf: {  	s6 =	sor.u32 $0x1C03, s31;
	s7 =	sadd.s32 $0xDA00, s9;
	s8 =	sadd.s32 $0x3C00, s9  }
0x10: {  	s9 =	sadd.s32 $0x67800, s11;
	s11 =	sshrl.u32 s12, $0x3;
	s12 =	simm.s32 $0x3  }
.LBB2_1:
0x11: {  	[spmem:s11], [sflag:s6] =	dma.local [hbm:s2], $0x2800  }
0x12: {  	_ =	swait.ge [sflag:s12], $0x2800  }
0x13: {  	[sflag:s12] =	ssyncset.done $0x0  }
0x14: {  	[sflag:s12] =	ssyncadd.s32 $0xFFFFD800  }
0x15: {  	[bflag:$0x0] =	sbarrier.arrive $0xFFFF  }
0x16: {  	[tilespmem:s4], [sflag:$0x3] =	stream.linear.gather [hbm4b:s7+s4], $0x2728, $0x38;
	[tilespmem:$0x1FE50] =	vst v63  }
0x17: {  	_ =	swait.ge [sflag:s12], $0x2728  }
0x18: {  	[sflag:s12] =	ssyncset.done $0x0  }
0x19: {  	[sflag:s12] =	ssyncadd.s32 $0xFFFFD8D8  }
0x1a: {  	[tilespmem:s13], [sflag:$0x3] =	stream.linear.gather [hbm4b:s8+s4], $0x2728, $0x38;
	[tilespmem:$0x1FE50] =	vst v63  }
0x1b: {  	_ =	swait.ge [sflag:s12], $0x2728  }
0x1c: {  	[sflag:s12] =	ssyncset.done $0x0  }
0x1d: {  	[sflag:s12] =	ssyncadd.s32 $0xFFFFD8D8  }
0x1e: {  	[tilespmem:s15], [sflag:$0x1] =	stream.indirect.gather [hbm4b:s5+s14], $0x80, s4, s14, $0xb8;
	[tilespmem:$0x1FE50] =	vst v63  }
0x1f: {  	_ = 	snop  }
0x20: {  	[tilespmem:s16], [sflag:$0x1] =	stream.indirect.gather [hbm4b:s5+s14], $0x80, s14, s14, $0xb8;
	[tilespmem:$0x1FE50] =	vst v63  }
0x21: {  	_ = 	snop  }
0x22: {  	[tilespmem:s18], [sflag:$0x1] =	stream.indirect.gather [hbm4b:s5+s14], $0x80, s17, s14, $0xb8;
	[tilespmem:$0x1FE50] =	vst v63  }
0x23: {  	s24 =	simm.s32 $0x4  }
0x24: {  	[tilespmem:s20], [sflag:$0x1] =	stream.indirect.gather [hbm4b:s5+s14], $0x80, s19, s14, $0xb8;
	[tilespmem:$0x1FE50] =	vst v63  }
0x25: {  	p0 =	por $0x0, $0x0;
	s25 =	simm.s32 $0x2760;
	_ =	swait.ge [sflag:s21], $0x1C00  }
0x26: {  	s26 =	simm.s32 $0xE0;
	s24 =	sand.u32 @!p0 $0x3, s24;
	[sflag:s21] =	ssyncset.done $0x0  }
0x27: {  	s28 =	simm.s32 $0x5;
	s24 =	smul.u32 @!p0 $0x7000, s24;
	[sflag:s21] =	ssyncadd.s32 $0xFFFFE400  }
0x28: {  	[spmem:s3] =	stream.indirect.scatter.add.f32 [tilespmem:s15], [sflag:$0x2], $0x80, s13, s14, $0xb8;
	[tilespmem:$0x1FE50] =	vst v63  }
0x29: {  	s30 =	simm.s32 $0x1;
	s29 =	simm.s32 $0x6;
	_ =	swait.ge [sflag:s22], $0x1C00  }
0x2a: {  	s31 =	simm.s32 @!p0 $0x38;
	s24 =	sshrl.u32 @!p0 s24, $0x2;
	[sflag:s22] =	ssyncset.done $0x0  }
0x2b: {  	s30 =	sand.u32 $0x3, s30;
	s24 =	sadd.s32 @!p0 $0x4E50, s24;
	[sflag:s22] =	ssyncadd.s32 $0xFFFFE400  }
0x2c: {  	[tilespmem:s24], [sflag:$0x1] =	stream.indirect.gather @!p0 [hbm4b:s5+s31], $0x80, s26, s31, $0xb8;
	[tilespmem:$0x1FE50] =	vst v63  }
0x2d: {  	s31 =	smul.u32 $0x7000, s30;
	s26 =	simm.s32 $0x118;
	_ =	swait.ge [sflag:s21], $0x1C00  }
0x2e: {  	s30 =	simm.s32 $0x2;
	s24 =	simm.s32 $0x2798;
	[sflag:s21] =	ssyncset.done $0x0  }
.LBB2_2:
0x2f: {  	p1 =	sgt.u32 s30, $0xAF  }
0x30: {  	s31 =	sshrl.u32 s31, $0x2;
	s1 =	smov.u32 s29;
	s29 =	sadd.s32 $0x1, s29  }
0x31: {  	p0 =	sne.s32 s29, $0xB6;
	s28 =	sand.u32 @!p1 $0x3, s28;
	s31 =	sadd.s32 $0x4E50, s31  }
0x32: {  	s0 =	smul.u32 @!p1 $0x7000, s28;
	[sflag:s21] =	ssyncadd.s32 $0xFFFFE400;
	s28 =	smov.u32 s1  }
0x33: {  	[spmem:s3] =	stream.indirect.scatter.add.f32 [tilespmem:s31], [sflag:$0x2], $0x80, s25, s14, $0xb8;
	[tilespmem:$0x1FE50] =	vst v63  }
0x34: {  	s25 =	smov.u32 s24;
	_ =	swait.ge [sflag:s22], $0x1C00;
	s0 =	sshrl.u32 @!p1 s0, $0x2  }
.Ltmp0:
0x35: {  	[sflag:s22] =	ssyncset.done $0x0;
	s0 =	sadd.s32 @!p1 $0x4E50, s0;
	(pc) =	sbr.rel @p0 .LBB2_2-.Ltmp0, $4  }
0x36: {  	s30 =	sand.u32 $0x3, s30;
	s1 =	simm.s32 @!p1 $0x38;
	[sflag:s22] =	ssyncadd.s32 $0xFFFFE400  }
0x37: {  	[tilespmem:s0], [sflag:$0x1] =	stream.indirect.gather @!p1 [hbm4b:s5+s1], $0x80, s26, s1, $0xb8;
	[tilespmem:$0x1FE50] =	vst v63  }
0x38: {  	s31 =	smul.u32 $0x7000, s30;
	s26 =	sadd.s32 $0x38, s26;
	_ =	swait.ge [sflag:s21], $0x1C00  }
0x39: {  	s30 =	sadd.s32 $0xFFFFFFFD, s28;
	s24 =	sadd.s32 $0x38, s24;
	[sflag:s21] =	ssyncset.done $0x0  }
0x3a: {  	p0 =	sgt.u32 s30, $0xAF  }
0x3b: {  	s0 =	sshrl.u32 s31, $0x2;
	s1 =	sand.u32 @!p0 $0x3, s28  }
0x3c: {  	[sflag:s21] =	ssyncadd.s32 $0xFFFFE400;
	s0 =	sadd.s32 $0x4E50, s0;
	s1 =	smul.u32 @!p0 $0x7000, s1  }
0x3d: {  	[spmem:s3] =	stream.indirect.scatter.add.f32 [tilespmem:s0], [sflag:$0x2], $0x80, s25, s14, $0xb8;
	[tilespmem:$0x1FE50] =	vst v63  }
0x3e: {  	s30 =	sand.u32 $0x3, s30;
	_ =	swait.ge [sflag:s22], $0x1C00  }
0x3f: {  	s31 =	smul.u32 $0x7000, s30;
	s0 =	sshrl.u32 @!p0 s1, $0x2;
	[sflag:s22] =	ssyncset.done $0x0  }
0x40: {  	s1 =	simm.s32 @!p0 $0x38;
	s0 =	sadd.s32 @!p0 $0x4E50, s0;
	[sflag:s22] =	ssyncadd.s32 $0xFFFFE400  }
0x41: {  	[tilespmem:s0], [sflag:$0x1] =	stream.indirect.gather @!p0 [hbm4b:s5+s1], $0x80, s26, s1, $0xb8;
	[tilespmem:$0x1FE50] =	vst v63  }
0x42: {  	_ =	swait.ge [sflag:s21], $0x1C00  }
0x43: {  	s0 =	sshrl.u32 s31, $0x2;
	[sflag:s21] =	ssyncset.done $0x0  }
0x44: {  	s0 =	sadd.s32 $0x4E50, s0;
	[sflag:s21] =	ssyncadd.s32 $0xFFFFE400  }
0x45: {  	[spmem:s3] =	stream.indirect.scatter.add.f32 [tilespmem:s0], [sflag:$0x2], $0x80, s24, s14, $0xb8;
	[tilespmem:$0x1FE50] =	vst v63  }
0x46: {  	_ =	swait.ge [sflag:s22], $0x1C00  }
0x47: {  	s23 =	sadd.s32 $0x1, s23;
	[sflag:s22] =	ssyncset.done $0x0  }
0x48: {  	p0 =	sne.s32 s23, s10;
	[sflag:s22] =	ssyncadd.s32 $0xFFFFE400  }
.Ltmp1:
0x49: {  	[bflag:$0x0] =	sbarrier.arrive $0xFFFF;
	(pc) =	sbr.rel @p0 .LBB2_1-.Ltmp1, $4  }
0x4a: {  	[hbm:s9], [sflag:s6] =	dma.local [spmem:s11], $0x2800  }
0x4b: {  	_ =	swait.ge [sflag:s12], $0x2800  }
0x4c: {  	[sflag:s12] =	ssyncset.done $0x0  }
0x4d: {  	[sflag:s12] =	ssyncadd.s32 $0xFFFFD800  }
0x4e: {  	_ =	sfence.sel $0x180000  }
0x4f: {  	[bflag:$0x0] =	sbarrier.arrive $0xFFFF  }
0x50: {  	_ =	strace $0x9000004D  }
0x51: {  	s0 =	stileid.u32;
	[bflag:$0x2] =	sbarrier.arrive $0xFFFF  }
0x52: {  	p0 =	sne.s32 s0, $0x0;
	s0 =	rddreg [dreg:$0x3]  }
0x53: {  	s0 =	sadd.s32 @!p0 $0x100000, s0  }
0x54: {  	[sflag:s0] =	ssyncadd.tile.s32 @!p0 $0x1;
	_ =	shalt  }
.Lfunc_end2:
_tile_overlayer_lowered:
.L_overlay_start_2:
0x55: {  	(tag) =	ssettag $0x2  }
0x56: {  	s0 =	rddreg [dreg:$0x0];
	s2 =	stileid.u32  }
0x57: {  	s1 =	rddreg [dreg:$0x1];
	p0 =	sne.s32 s2, $0x0  }
0x58: {  	s3 =	rddreg [dreg:$0x2];
	[bflag:$0x3] =	sbarrier.arrive $0xFFFF;
	s2 =	simm.s32 @!p0 $0x1C03  }
0x59: {  	[timem:s3], [sflag:s2] =	dma.local @!p0 [hbm:s0], s1  }
0x5a: {  	s0 =	simm.s32 @!p0 $0x3  }
0x5b: {  	_ =	swait.ge @!p0 [sflag:s0], s1  }
0x5c: {  	s1 =	ssub.s32 @!p0 $0x0, s1;
	[sflag:s0] =	ssyncset.done @!p0 $0x0  }
0x5d: {  	[sflag:s0] =	ssyncadd.s32 @!p0 s1  }
0x5e: {  	[bflag:$0x3] =	sbarrier.arrive $0xFFFF  }
0x5f: {  	_ =	shalt  }

// kernel: kernel.8.cloned.1.call-start
scs
__scs_entry_jumppad:
0x0: {  	(pc) =	sbr.rel $0x88, $3  }
0x1: {  	(tag) =	ssettag $0x0;
	lr =	simm.s32 $0x1  }
0x2: {  	[smem:$0x3F95] =	sst lr;
	_ =	strace $0xD0000000  }
0x3: {  	_ = 	snop  }
0x4: {  	_ = 	snop  }
0x5: {  	_ = 	snop  }
0x6: {  	_ = 	snop  }
0x7: {  	_ = 	snop  }
__scs_overlays_trampoline_lowered:
0x8: {  	[smem:$0x3FA4] =	sst s0  }
0x9: {  	[smem:$0x3FA5] =	sst s1  }
0xa: {  	[smem:$0x3FA6] =	sst s2  }
0xb: {  	[smem:$0x3FA7] =	sst s3  }
0xc: {  	[smem:$0x3FA8] =	sst s4  }
0xd: {  	[smem:$0x3FA9] =	sst s5  }
0xe: {  	[smem:$0x3FAA] =	sst s6  }
0xf: {  	[smem:$0x3FAB] =	sst s7  }
0x10: {  	[smem:$0x3FAC] =	sst s8  }
0x11: {  	[smem:$0x3FAD] =	sst s9;
	s0 =	simm.s32 @!p0 $0x0  }
0x12: {  	s1 =	sld [smem:$0x3F93];
	s0 =	simm.s32 @p0 $0x1  }
0x13: {  	[smem:$0x3FAE] =	sst s0;
	s0 =	simm.s32 @!p1 $0x0  }
0x14: {  	s2 =	sld [smem:$0x3F92];
	s0 =	simm.s32 @p1 $0x1  }
0x15: {  	[smem:$0x3FAF] =	sst s0;
	s0 =	simm.s32 @!p2 $0x0  }
0x16: {  	s3 =	sld [smem:$0x3FDB];
	s0 =	simm.s32 @p2 $0x1  }
0x17: {  	s4 =	simm.s32 $0x1BF5;
	[smem:$0x3FB1] =	sst s0  }
0x18: {  	s0 =	sld [smem:$0x3F94];
	_ =	swait.ge [sflag:s4], $0x0  }
0x19: {  	s7 =	sld [smem:$0x3F95]  }
0x1a: {  	s8 =	sadd.s32 $0xFFFFE003, lr  }
0x1b: {  	s9 =	sadd.s32 $0xFFFFFEF7, lr;
	s5 =	simm.s32 $0xFFFFFFFF;
	p2 =	slt.u32 s8, $0xFFFFF086  }
0x1c: {  	p1 =	slt.u32 s9, $0xF7A;
	s5 =	simm.s32 @!p2 $0x0  }
0x1d: {  	s5 =	simm.s32 @p1 $0x1;
	p0 =	seq.s32 s7, s2  }
0x1e: {  	s7 =	smul.u32 @!p0 $0xF7A, s2;
	p2 =	seq.s32 @!p0 s5, $0x0  }
0x1f: {  	s9 =	smul.u32 $0xF7A, s1;
	s8 =	simm.s32 @!p0 $0x1BF5;
	p2 =	por !p2, p0  }
0x20: {  	[sflag:s8] =	ssyncset.s32 @!p0 $0xFFFFF086;
	s6 =	sadd.s32 @!p0 s3, s7;
	s7 =	simm.s32 @!p0 $0x108  }
0x21: {  	s3 =	sadd.s32 s3, s9;
	s6 =	sadd.s32 @!p0 $0x88, s6;
	s7 =	simm.s32 @p2 $0x1082  }
0x22: {  	[simem:s7], [sflag:s8] =	dma.local @!p0 [hbm:s6], $0xF7A  }
0x23: {  	s9 =	sor.u32 $0xD0000000, s2;
	s6 =	simm.s32 $0x108;
	_ =	swait.ge @!p0 [sflag:s8], $0x0  }
0x24: {  	s3 =	sadd.s32 $0x88, s3;
	s6 =	simm.s32 @!p1 $0x1082;
	[sflag:s4] =	ssyncset.s32 $0xFFFFF086  }
0x25: {  	[simem:s6], [sflag:s4] =	dma.local [hbm:s3], $0xF7A  }
0x26: {  	[smem:$0x3F95] =	sst s1;
	(tag) =	ssettag s2;
	_ =	strace s9  }
0x27: {  	s1 =	sld [smem:$0x3FA5]  }
0x28: {  	s2 =	sld [smem:$0x3FA6]  }
0x29: {  	s4 =	sld [smem:$0x3FA8]  }
0x2a: {  	p0 =	seq.s32 s5, $0x0;
	s5 =	sld [smem:$0x3FA9]  }
0x2b: {  	s6 =	sld [smem:$0x3FAA]  }
0x2c: {  	s7 =	sld [smem:$0x3FAB]  }
0x2d: {  	s3 =	simm.s32 $0x108;
	s8 =	sld [smem:$0x3FAC]  }
0x2e: {  	s3 =	simm.s32 @!p0 $0x1082;
	s9 =	sld [smem:$0x3FAD]  }
0x2f: {  	lr =	sadd.s32 s0, s3;
	s0 =	sld [smem:$0x3FA4]  }
0x30: {  	s3 =	sld [smem:$0x3FA7]  }
0x31: {  	[smem:$0x3FB0] =	sst s10  }
0x32: {  	s10 =	sld [smem:$0x3FAE];
	_ =	sdelay $0x3  }
0x33: {  	p0 =	seq.s32 s10, $0x1;
	s10 =	sld [smem:$0x3FB0];
	_ =	sdelay $0x3  }
0x34: {  	[smem:$0x3FB0] =	sst s10  }
0x35: {  	s10 =	sld [smem:$0x3FAF];
	_ =	sdelay $0x3  }
0x36: {  	p1 =	seq.s32 s10, $0x1;
	s10 =	sld [smem:$0x3FB0];
	_ =	sdelay $0x3  }
0x37: {  	[smem:$0x3FB0] =	sst s10  }
0x38: {  	s10 =	sld [smem:$0x3FB1]  }
0x39: {  	_ = 	snop;
	(pc) =	sbr.ind lr, $3  }
0x3a: {  	_ = 	snop  }
0x3b: {  	_ = 	snop  }
0x3c: {  	p2 =	seq.s32 s10, $0x1;
	s10 =	sld [smem:$0x3FB0]  }
0x3d: {  	_ =	shalt  }
0x3e: {  	_ =	shalt  }
0x3f: {  	_ =	shalt  }
0x40: {  	_ =	shalt  }
0x41: {  	_ =	shalt  }
0x42: {  	_ =	shalt  }
0x43: {  	_ =	shalt  }
0x44: {  	_ =	shalt  }
0x45: {  	_ =	shalt  }
0x46: {  	_ =	shalt  }
0x47: {  	_ =	shalt  }
0x48: {  	_ =	shalt  }
0x49: {  	_ =	shalt  }
0x4a: {  	_ =	shalt  }
0x4b: {  	_ =	shalt  }
0x4c: {  	_ =	shalt  }
0x4d: {  	_ =	shalt  }
0x4e: {  	_ =	shalt  }
0x4f: {  	_ =	shalt  }
0x50: {  	_ =	shalt  }
0x51: {  	_ =	shalt  }
0x52: {  	_ =	shalt  }
0x53: {  	_ =	shalt  }
0x54: {  	_ =	shalt  }
0x55: {  	_ =	shalt  }
0x56: {  	_ =	shalt  }
0x57: {  	_ =	shalt  }
0x58: {  	_ =	shalt  }
0x59: {  	_ =	shalt  }
0x5a: {  	_ =	shalt  }
0x5b: {  	_ =	shalt  }
0x5c: {  	_ =	shalt  }
0x5d: {  	_ =	shalt  }
0x5e: {  	_ =	shalt  }
0x5f: {  	_ =	shalt  }
0x60: {  	_ =	shalt  }
0x61: {  	_ =	shalt  }
0x62: {  	_ =	shalt  }
0x63: {  	_ =	shalt  }
0x64: {  	_ =	shalt  }
0x65: {  	_ =	shalt  }
0x66: {  	_ =	shalt  }
0x67: {  	_ =	shalt  }
0x68: {  	_ =	shalt  }
0x69: {  	_ =	shalt  }
0x6a: {  	_ =	shalt  }
0x6b: {  	_ =	shalt  }
0x6c: {  	_ =	shalt  }
0x6d: {  	_ =	shalt  }
0x6e: {  	_ =	shalt  }
0x6f: {  	_ =	shalt  }
0x70: {  	_ =	shalt  }
0x71: {  	_ =	shalt  }
0x72: {  	_ =	shalt  }
0x73: {  	_ =	shalt  }
0x74: {  	_ =	shalt  }
0x75: {  	_ =	shalt  }
0x76: {  	_ =	shalt  }
0x77: {  	_ =	shalt  }
0x78: {  	_ =	shalt  }
0x79: {  	_ =	shalt  }
0x7a: {  	_ =	shalt  }
0x7b: {  	_ =	shalt  }
0x7c: {  	_ =	shalt  }
0x7d: {  	_ =	shalt  }
0x7e: {  	_ =	shalt  }
0x7f: {  	_ =	shalt  }
0x80: {  	_ =	shalt  }
0x81: {  	_ =	shalt  }
0x82: {  	_ =	shalt  }
0x83: {  	_ =	shalt  }
0x84: {  	_ =	shalt  }
0x85: {  	_ =	shalt  }
0x86: {  	_ =	shalt  }
0x87: {  	_ =	shalt  }
.Lfunc_end0:
.L_simem_size_0:
called_computation_lowered:
.L_overlay_start_0:
0x88: {  	s2 =	sld [smem:$0x3FD9]  }
0x89: {  	s3 =	sld [smem:$0x3FFE];
	_ =	sdelay $0x1  }
0x8a: {  	s1 =	srdreg.scid  }
0x8b: {  	s0 =	sand.u32 $0x1, s1  }
0x8c: {  	s17 =	sshll.u32 s0, $0xA;
	s2 =	sadd.s32 s3, s2  }
0x8d: {  	s2 =	sadd.s32 s2, s17  }
0x8e: {  	[smem:$0x3FBC] =	sst s2  }
0x8f: {  	_ = 	snop  }
0x90: {  	s2 =	sld [smem:$0x3FD0];
	(tm) =	ssettm $0x1  }
0x91: {  	s18 =	sld [smem:$0x3FFB];
	_ =	sdelay $0x3  }
0x92: {  	_ =	strace s18  }
0x93: {  	s3 =	sld [smem:$0x3FFC];
	_ =	sdelay $0x3  }
0x94: {  	_ =	strace s3  }
0x95: {  	s3 =	sld [smem:$0x3FFD];
	_ =	sdelay $0x3  }
0x96: {  	_ =	strace s3  }
0x97: {  	_ =	strace $0x8FFFFFFF  }
0x98: {  	s19 =	sld [smem:$0x3FDB];
	_ =	sdelay $0x1  }
0x99: {  	s4 =	simm.s32 $_scs_section_size  }
0x9a: {  	s5 =	simm.s32 $_size__tile_overlayer_lowered;
	s6 =	simm.s32 $_tile_overlayer_lowered  }
0x9b: {  	s22 =	simm.s32 $0x1BFF;
	s21 =	sshll.u32 s6, $0x1;
	s3 =	sadd.s32 s4, s19  }
0x9c: {  	s7 =	simm.s32 $0x0;
	s20 =	sshll.u32 s5, $0x1;
	s5 =	sadd.s32 s21, s3  }
0x9d: {  	[timem:s7], [sflag:s22] =	dma.local [hbm:s5], s20  }
0x9e: {  	_ =	swait.ge [sflag:s22], s20  }
0x9f: {  	s4 =	ssub.s32 $0x0, s20;
	[sflag:s22] =	ssyncset.done $0x0  }
0xa0: {  	[sflag:s22] =	ssyncadd.s32 s4;
	_ =	sdelay $0x1  }
0xa1: {  	s23 =	simm.s32 $0x1B8B  }
0xa2: {  	_ =	swait.ge [sflag:s23], $0x1  }
0xa3: {  	[sflag:s23] =	ssyncset.done $0x0  }
0xa4: {  	s25 =	simm.s32 $0x1B8E;
	s24 =	sld [smem:$0x3FFE];
	[sflag:s23] =	ssyncadd.s32 $0xFFFFFFFF  }
0xa5: {  	s26 =	simm.s32 $execute0_lowered;
	[smem:$0x3FD2] =	sst s25  }
0xa6: {  	s5 =	sshll.u32 s26, $0x1;
	_ =	strace $0x80000046;
	[dreg:$0x1] =	wrdreg $0xFFFFFFFF  }
0xa7: {  	s28 =	simm.s32 $_size_execute0_lowered;
	s3 =	sadd.s32 s3, s5;
	[dreg:$0x0] =	wrdreg $0x0  }
0xa8: {  	s5 =	sshll.u32 s28, $0x1;
	[dreg:$0x2] =	wrdreg s3  }
0xa9: {  	[dreg:$0x3] =	wrdreg s5  }
0xaa: {  	[dreg:$0x4] =	wrdreg $0xC0  }
0xab: {  	_ =	task [dreg:s7], $0x5FFFF  }
0xac: {  	[dreg:$0x1] =	wrdreg $0xFFFFFFFF  }
0xad: {  	[dreg:$0x0] =	wrdreg $0x60  }
0xae: {  	[dreg:$0x2] =	wrdreg s24  }
0xaf: {  	[dreg:$0x3] =	wrdreg s2  }
0xb0: {  	[dreg:$0x4] =	wrdreg $0x56980  }
0xb1: {  	[dreg:$0x5] =	wrdreg $0x7E980  }
0xb2: {  	[dreg:$0x6] =	wrdreg $0x9  }
0xb3: {  	_ =	task.clear_ibuf [dreg:s7], $0x7FFFF;
	_ =	strace $0x90000046  }
0xb4: {  	s29 =	simm.s32 $0x9;
	_ =	strace $0x80000048  }
0xb5: {  	_ =	swait.ge [sflag:s29], $0x1  }
0xb6: {  	[sflag:s29] =	ssyncadd.s32 $0xFFFFFFFF  }
0xb7: {  	_ =	strace $0x90000048  }
0xb8: {  	_ =	sfence  }
0xb9: {  	s30 =	sld [smem:$0x0];
	_ =	sdelay $0x2  }
0xba: {  	s31 =	sshll.u32 s1, $0xD;
	s1 =	sshrl.u32 s1, $0x2  }
0xbb: {  	s3 =	sand.u32 $0x4000, s31;
	s1 =	sadd.s32 s1, s30  }
0xbc: {  	s0 =	sor.u32 s3, s0;
	s1 =	sshll.u32 s1, $0x11  }
0xbd: {  	s0 =	sor.u32 s1, s0  }
0xbe: {  	s0 =	sadd.s32 $0x8F2B, s0  }
0xbf: {  	[sflag:s0] =	ssyncadd.remote.s32 $0x1  }
0xc0: {  	_ =	sfence.sel $0xFFFF  }
0xc1: {  	[dreg:$0x0] =	wrdreg $0xFFFFFFFF;
	(pc) =	sbr.abs _section_cstart, $3  }
0xc2: {  	[dreg:$0x1] =	wrdreg $0xFFFFFFFF  }
0xc3: {  	_ =	task.clear_ibuf [dreg:s7], $0x2FFFF;
	_ =	strace $0x9FFFFFFF  }
0xc4: {  	(tm) =	ssettm $0x7FFFFFFF  }
0xc5: {  	_ =	shalt  }
tec
execute0_lowered:
.L_overlay_start_1:
0x0: {  	(tag) =	ssettag $0x1  }
0x1: {  	s0 =	rddreg [dreg:$0x0]  }
0x2: {  	s3 =	rddreg [dreg:$0x2];
	s1 =	srdreg.scid  }
0x3: {  	s7 =	stileid.u32;
	s4 =	rddreg [dreg:$0x3]  }
0x4: {  	s5 =	simm.s32 $0x0;
	s14 =	simm.s32 $0x2E98;
	s15 =	simm.s32 $0x2  }
0x5: {  	s16 =	simm.s32 $0x2B18;
	s17 =	simm.s32 $0x2728;
	s18 =	simm.s32 $0x38  }
0x6: {  	s25 =	simm.s32 $0x28B0;
	s26 =	simm.s32 $0x28E8;
	s28 =	simm.s32 $0x2920  }
0x7: {  	s29 =	simm.s32 $0x2958;
	s30 =	simm.s32 $0x2990;
	s31 =	simm.s32 $0x29C8  }
0x8: {  	s19 =	simm.s32 $0x2AA8;
	s20 =	simm.s32 $0x2AE0;
	s21 =	simm.s32 $0x1  }
0x9: {  	s22 =	simm.s32 $0x0;
	s1 =	sand.u32 $0x1, s1;
	s2 =	sshll.u32 s7, $0x1  }
0xa: {  	[smem:$0x7FF] =	sst s5;
	s10 =	smul.u32 $0x2800, s7;
	s2 =	sor.u32 s1, s2  }
0xb: {  	s6 =	sshll.u32 s1, $0x4;
	_ =	strace $0x80000047;
	s1 =	ssub.s32 $0x2, s1  }
0xc: {  	s2 =	smul.u32 $0x4E5, s2;
	s6 =	sor.u32 s7, s6;
	s9 =	sshrl.u32 s1, $0x1  }
0xd: {  	s7 =	sadd.s32 $0x17800, s0;
	s8 =	smul.u32 $0x500, s6;
	s6 =	sadd.s32 $0x3A00, s0  }
0xe: {  	s1 =	ssub.s32 s1, s9;
	s9 =	sadd.s32 s10, s4;
	s2 =	sadd.s32 s2, s0  }
0xf: {  	s13 =	smax.u32 s1, $0x1;
	s1 =	simm.s32 $0x2A38;
	s0 =	sadd.s32 s8, s0  }
0x10: {  	s8 =	sadd.s32 s10, s3;
	s10 =	sadd.s32 $0x3C00, s2;
	s2 =	simm.s32 $0x2A00  }
0x11: {  	s11 =	sadd.s32 $0x17A00, s0;
	s12 =	sadd.s32 $0x21A00, s0;
	s0 =	simm.s32 $0x2A70  }
.LBB2_1:
0x12: {  	s23 =	rddreg [dreg:$0x1]  }
0x13: {  	[tilespmem:s14], [sflag:$0x2] =	stream.linear.gather [hbm4b:s23+s5], $0x2800, $0x38;
	[tilespmem:$0xA698] =	vst v63  }
0x14: {  	_ =	swait.ge [sflag:s15], $0x2800  }
0x15: {  	[sflag:s15] =	ssyncset.done $0x0  }
0x16: {  	[sflag:s15] =	ssyncadd.s32 $0xFFFFD800  }
0x17: {  	[spmem:s8] =	stream.linear.scatter [tilespmem:s14], [sflag:$0x2], $0x2800, $0x38;
	[tilespmem:$0xA698] =	vst v63  }
0x18: {  	_ =	swait.ge [sflag:s15], $0x2800  }
0x19: {  	[sflag:s15] =	ssyncset.done $0x0  }
0x1a: {  	[sflag:s15] =	ssyncadd.s32 $0xFFFFD800  }
0x1b: {  	[spmem:s9] =	stream.linear.scatter [tilespmem:s14], [sflag:$0x2], $0x2800, $0x38;
	[tilespmem:$0xA698] =	vst v63  }
0x1c: {  	_ =	swait.ge [sflag:s15], $0x2800  }
0x1d: {  	[sflag:s15] =	ssyncset.done $0x0  }
0x1e: {  	[sflag:s15] =	ssyncadd.s32 $0xFFFFD800  }
0x1f: {  	[bflag:$0x0] =	sbarrier.arrive $0xFFFF  }
0x20: {  	[tilespmem:s16], [sflag:$0x2] =	stream.linear.gather [hbm4b:s7+s5], $0x380, $0x38;
	[tilespmem:$0xA698] =	vst v63  }
0x21: {  	_ =	swait.ge [sflag:s15], $0x380  }
0x22: {  	[sflag:s15] =	ssyncset.done $0x0  }
0x23: {  	[sflag:s15] =	ssyncadd.s32 $0xFFFFFC80  }
0x24: {  	[tilespmem:s5], [sflag:$0x2] =	stream.linear.gather [hbm4b:s10+s5], $0x2728, $0x38;
	[tilespmem:$0xA698] =	vst v63  }
0x25: {  	_ =	swait.ge [sflag:s15], $0x2728  }
0x26: {  	[sflag:s15] =	ssyncset.done $0x0  }
0x27: {  	[sflag:s15] =	ssyncadd.s32 $0xFFFFD8D8  }
0x28: {  	[tilespmem:s17], [sflag:$0x2] =	stream.linear.gather [hbm4b:s6+s5], $0x3F0, $0x38;
	[tilespmem:$0xA698] =	vst v63  }
0x29: {  	_ =	swait.ge [sflag:s15], $0x3F0  }
0x2a: {  	[sflag:s15] =	ssyncset.done $0x0  }
0x2b: {  	s24 =	simm.s32 $0x0;
	s23 =	simm.s32 $0xE0;
	[sflag:s15] =	ssyncadd.s32 $0xFFFFFC10  }
.LBB2_2:
0x2c: {  	[spmem:s3] =	stream.indirect.scatter.add.f32 [tilespmem:s16], [sflag:$0x1], $0x10, s24, s18, $0xb8;
	[tilespmem:$0xA698] =	vst v63  }
0x2d: {  	s24 =	smov.u32 s23;
	p0 =	sne.s32 s23, $0x9BC0  }
.Ltmp0:
0x2e: {  	s23 =	sadd.s32 $0xE0, s23;
	(pc) =	sbr.rel @p0 .LBB2_2-.Ltmp0, $2  }
0x2f: {  	_ =	sdelay $0x2  }
0x30: {  	s24 =	sshra.s32 s24, $0x2  }
0x31: {  	[spmem:s3] =	stream.indirect.scatter.add.f32 [tilespmem:s16], [sflag:$0x1], $0x10, s24, s18, $0xb8;
	[tilespmem:$0xA698] =	vst v63  }
0x32: {  	_ = 	snop  }
0x33: {  	[spmem:s4] =	stream.indirect.scatter.add.f32 [tilespmem:s16], [sflag:$0x1], $0x10, s17, s18, $0xb8;
	[tilespmem:$0xA698] =	vst v63  }
0x34: {  	s23 =	simm.s32 $0x2760  }
0x35: {  	[spmem:s4] =	stream.indirect.scatter.add.f32 [tilespmem:s16], [sflag:$0x1], $0x10, s23, s18, $0xb8;
	[tilespmem:$0xA698] =	vst v63  }
0x36: {  	s24 =	simm.s32 $0x2798  }
0x37: {  	[spmem:s4] =	stream.indirect.scatter.add.f32 [tilespmem:s16], [sflag:$0x1], $0x10, s24, s18, $0xb8;
	[tilespmem:$0xA698] =	vst v63  }
0x38: {  	s24 =	simm.s32 $0x27D0  }
0x39: {  	[spmem:s4] =	stream.indirect.scatter.add.f32 [tilespmem:s16], [sflag:$0x1], $0x10, s24, s18, $0xb8;
	[tilespmem:$0xA698] =	vst v63  }
0x3a: {  	s24 =	simm.s32 $0x2808  }
0x3b: {  	[spmem:s4] =	stream.indirect.scatter.add.f32 [tilespmem:s16], [sflag:$0x1], $0x10, s24, s18, $0xb8;
	[tilespmem:$0xA698] =	vst v63  }
0x3c: {  	s24 =	simm.s32 $0x2840  }
0x3d: {  	[spmem:s4] =	stream.indirect.scatter.add.f32 [tilespmem:s16], [sflag:$0x1], $0x10, s24, s18, $0xb8;
	[tilespmem:$0xA698] =	vst v63  }
0x3e: {  	s24 =	simm.s32 $0x2878  }
0x3f: {  	[spmem:s4] =	stream.indirect.scatter.add.f32 [tilespmem:s16], [sflag:$0x1], $0x10, s24, s18, $0xb8;
	[tilespmem:$0xA698] =	vst v63  }
0x40: {  	_ = 	snop  }
0x41: {  	[spmem:s4] =	stream.indirect.scatter.add.f32 [tilespmem:s16], [sflag:$0x1], $0x10, s25, s18, $0xb8;
	[tilespmem:$0xA698] =	vst v63  }
0x42: {  	_ = 	snop  }
0x43: {  	[spmem:s4] =	stream.indirect.scatter.add.f32 [tilespmem:s16], [sflag:$0x1], $0x10, s26, s18, $0xb8;
	[tilespmem:$0xA698] =	vst v63  }
0x44: {  	_ = 	snop  }
0x45: {  	[spmem:s4] =	stream.indirect.scatter.add.f32 [tilespmem:s16], [sflag:$0x1], $0x10, s28, s18, $0xb8;
	[tilespmem:$0xA698] =	vst v63  }
0x46: {  	_ = 	snop  }
0x47: {  	[spmem:s4] =	stream.indirect.scatter.add.f32 [tilespmem:s16], [sflag:$0x1], $0x10, s29, s18, $0xb8;
	[tilespmem:$0xA698] =	vst v63  }
0x48: {  	_ = 	snop  }
0x49: {  	[spmem:s4] =	stream.indirect.scatter.add.f32 [tilespmem:s16], [sflag:$0x1], $0x10, s30, s18, $0xb8;
	[tilespmem:$0xA698] =	vst v63  }
0x4a: {  	_ = 	snop  }
0x4b: {  	[spmem:s4] =	stream.indirect.scatter.add.f32 [tilespmem:s16], [sflag:$0x1], $0x10, s31, s18, $0xb8;
	[tilespmem:$0xA698] =	vst v63  }
0x4c: {  	_ = 	snop  }
0x4d: {  	[spmem:s4] =	stream.indirect.scatter.add.f32 [tilespmem:s16], [sflag:$0x1], $0x10, s2, s18, $0xb8;
	[tilespmem:$0xA698] =	vst v63  }
0x4e: {  	_ = 	snop  }
0x4f: {  	[spmem:s4] =	stream.indirect.scatter.add.f32 [tilespmem:s16], [sflag:$0x1], $0x10, s1, s18, $0xb8;
	[tilespmem:$0xA698] =	vst v63  }
0x50: {  	_ = 	snop  }
0x51: {  	[spmem:s4] =	stream.indirect.scatter.add.f32 [tilespmem:s16], [sflag:$0x1], $0x10, s0, s18, $0xb8;
	[tilespmem:$0xA698] =	vst v63  }
0x52: {  	_ = 	snop  }
0x53: {  	[spmem:s4] =	stream.indirect.scatter.add.f32 [tilespmem:s16], [sflag:$0x1], $0x10, s19, s18, $0xb8;
	[tilespmem:$0xA698] =	vst v63  }
0x54: {  	_ = 	snop  }
0x55: {  	[spmem:s4] =	stream.indirect.scatter.add.f32 [tilespmem:s16], [sflag:$0x1], $0x10, s20, s18, $0xb8;
	[tilespmem:$0xA698] =	vst v63  }
0x56: {  	_ =	swait.ge [sflag:s21], $0x380  }
0x57: {  	s23 =	simm.s32 $0xB2;
	[sflag:s21] =	ssyncset.done $0x0  }
.LBB2_4:
0x58: {  	p0 =	sne.s32 s23, $0x1;
	s23 =	sadd.s32 $0xFFFFFFFF, s23;
	[sflag:s21] =	ssyncadd.s32 $0xFFFFFC80  }
.Ltmp1:
0x59: {  	(pc) =	sbr.rel @p0 .LBB2_4-.Ltmp1, $3  }
0x5a: {  	_ =	sdelay $0x1  }
0x5b: {  	_ =	swait.ge [sflag:s21], $0x380  }
0x5c: {  	[sflag:s21] =	ssyncset.done $0x0  }
0x5d: {  	[sflag:s21] =	ssyncadd.s32 $0xFFFFFC80  }
0x5e: {  	_ =	swait.ge [sflag:s21], $0x380  }
0x5f: {  	[sflag:s21] =	ssyncset.done $0x0  }
0x60: {  	[sflag:s21] =	ssyncadd.s32 $0xFFFFFC80  }
0x61: {  	_ =	swait.ge [sflag:s21], $0x380  }
0x62: {  	[sflag:s21] =	ssyncset.done $0x0  }
0x63: {  	[sflag:s21] =	ssyncadd.s32 $0xFFFFFC80  }
0x64: {  	_ =	swait.ge [sflag:s21], $0x380  }
0x65: {  	[sflag:s21] =	ssyncset.done $0x0  }
0x66: {  	[sflag:s21] =	ssyncadd.s32 $0xFFFFFC80  }
0x67: {  	_ =	swait.ge [sflag:s21], $0x380  }
0x68: {  	[sflag:s21] =	ssyncset.done $0x0  }
0x69: {  	[sflag:s21] =	ssyncadd.s32 $0xFFFFFC80  }
0x6a: {  	_ =	swait.ge [sflag:s21], $0x380  }
0x6b: {  	[sflag:s21] =	ssyncset.done $0x0  }
0x6c: {  	[sflag:s21] =	ssyncadd.s32 $0xFFFFFC80  }
0x6d: {  	_ =	swait.ge [sflag:s21], $0x380  }
0x6e: {  	[sflag:s21] =	ssyncset.done $0x0  }
0x6f: {  	[sflag:s21] =	ssyncadd.s32 $0xFFFFFC80  }
0x70: {  	_ =	swait.ge [sflag:s21], $0x380  }
0x71: {  	[sflag:s21] =	ssyncset.done $0x0  }
0x72: {  	[sflag:s21] =	ssyncadd.s32 $0xFFFFFC80  }
0x73: {  	_ =	swait.ge [sflag:s21], $0x380  }
0x74: {  	[sflag:s21] =	ssyncset.done $0x0  }
0x75: {  	[sflag:s21] =	ssyncadd.s32 $0xFFFFFC80  }
0x76: {  	_ =	swait.ge [sflag:s21], $0x380  }
0x77: {  	[sflag:s21] =	ssyncset.done $0x0  }
0x78: {  	[sflag:s21] =	ssyncadd.s32 $0xFFFFFC80  }
0x79: {  	_ =	swait.ge [sflag:s21], $0x380  }
0x7a: {  	[sflag:s21] =	ssyncset.done $0x0  }
0x7b: {  	[sflag:s21] =	ssyncadd.s32 $0xFFFFFC80  }
0x7c: {  	_ =	swait.ge [sflag:s21], $0x380  }
0x7d: {  	[sflag:s21] =	ssyncset.done $0x0  }
0x7e: {  	[sflag:s21] =	ssyncadd.s32 $0xFFFFFC80  }
0x7f: {  	_ =	swait.ge [sflag:s21], $0x380  }
0x80: {  	[sflag:s21] =	ssyncset.done $0x0  }
0x81: {  	[sflag:s21] =	ssyncadd.s32 $0xFFFFFC80  }
0x82: {  	_ =	swait.ge [sflag:s21], $0x380  }
0x83: {  	[sflag:s21] =	ssyncset.done $0x0  }
0x84: {  	[sflag:s21] =	ssyncadd.s32 $0xFFFFFC80  }
0x85: {  	_ =	swait.ge [sflag:s21], $0x380  }
0x86: {  	[sflag:s21] =	ssyncset.done $0x0  }
0x87: {  	[sflag:s21] =	ssyncadd.s32 $0xFFFFFC80  }
0x88: {  	_ =	swait.ge [sflag:s21], $0x380  }
0x89: {  	[sflag:s21] =	ssyncset.done $0x0  }
0x8a: {  	[sflag:s21] =	ssyncadd.s32 $0xFFFFFC80  }
0x8b: {  	_ =	swait.ge [sflag:s21], $0x380  }
0x8c: {  	[sflag:s21] =	ssyncset.done $0x0  }
0x8d: {  	[sflag:s21] =	ssyncadd.s32 $0xFFFFFC80  }
0x8e: {  	_ =	swait.ge [sflag:s21], $0x380  }
0x8f: {  	[sflag:s21] =	ssyncset.done $0x0  }
0x90: {  	[sflag:s21] =	ssyncadd.s32 $0xFFFFFC80  }
0x91: {  	_ =	swait.ge [sflag:s21], $0x380  }
0x92: {  	s23 =	stileid.u32;
	[sflag:s21] =	ssyncset.done $0x0  }
0x93: {  	s23 =	sshll.u32 s23, $0x6;
	[sflag:s21] =	ssyncadd.s32 $0xFFFFFC80  }
0x94: {  	s24 =	sshrl.u32 s8, $0x3;
	s23 =	sor.u32 $0x1C02, s23;
	[bflag:$0x0] =	sbarrier.arrive $0xFFFF  }
0x95: {  	[hbm:s11], [sflag:s23] =	dma.local [spmem:s24], $0x500  }
0x96: {  	s22 =	sadd.s32 $0x1, s22;
	_ =	swait.ge [sflag:s15], $0x500  }
0x97: {  	p0 =	sne.s32 s22, s13;
	[sflag:s15] =	ssyncset.done $0x0  }
.Ltmp2:
0x98: {  	s24 =	sshrl.u32 s9, $0x3;
	[sflag:s15] =	ssyncadd.s32 $0xFFFFFB00;
	(pc) =	sbr.rel @p0 .LBB2_1-.Ltmp2, $4  }
0x99: {  	[hbm:s12], [sflag:s23] =	dma.local [spmem:s24], $0x500  }
0x9a: {  	_ =	swait.ge [sflag:s15], $0x500  }
0x9b: {  	[sflag:s15] =	ssyncset.done $0x0  }
0x9c: {  	[sflag:s15] =	ssyncadd.s32 $0xFFFFFB00  }
0x9d: {  	_ =	sfence.sel $0x180000  }
0x9e: {  	[bflag:$0x0] =	sbarrier.arrive $0xFFFF  }
0x9f: {  	_ =	strace $0x90000047  }
0xa0: {  	s0 =	stileid.u32;
	[bflag:$0x2] =	sbarrier.arrive $0xFFFF  }
0xa1: {  	p0 =	sne.s32 s0, $0x0;
	s0 =	rddreg [dreg:$0x4]  }
0xa2: {  	s0 =	sadd.s32 @!p0 $0x100000, s0  }
0xa3: {  	[sflag:s0] =	ssyncadd.tile.s32 @!p0 $0x1;
	_ =	shalt  }
.Lfunc_end2:
_tile_overlayer_lowered:
.L_overlay_start_2:
0xa4: {  	(tag) =	ssettag $0x2  }
0xa5: {  	s0 =	rddreg [dreg:$0x0];
	s2 =	stileid.u32  }
0xa6: {  	s1 =	rddreg [dreg:$0x1];
	p0 =	sne.s32 s2, $0x0  }
0xa7: {  	s3 =	rddreg [dreg:$0x2];
	[bflag:$0x3] =	sbarrier.arrive $0xFFFF;
	s2 =	simm.s32 @!p0 $0x1C02  }
0xa8: {  	[timem:s3], [sflag:s2] =	dma.local @!p0 [hbm:s0], s1  }
0xa9: {  	s0 =	simm.s32 @!p0 $0x2  }
0xaa: {  	_ =	swait.ge @!p0 [sflag:s0], s1  }
0xab: {  	s1 =	ssub.s32 @!p0 $0x0, s1;
	[sflag:s0] =	ssyncset.done @!p0 $0x0  }
0xac: {  	[sflag:s0] =	ssyncadd.s32 @!p0 s1  }
0xad: {  	[bflag:$0x3] =	sbarrier.arrive $0xFFFF  }
0xae: {  	_ =	shalt  }

</sc_bundles>
